<compile_context>
chip_gen: v7x
topology: tpu7x:2x2x1
jax: 0.10.2.dev20260603
libtpu: 0.0.44.dev20260713+nightly
codegen_flags: <defaults>
</compile_context>

<pallas_src>
import functools

import jax
import jax.numpy as jnp
from jax import lax
from jax.experimental import pallas as pl
from jax.experimental.pallas import tpu as pltpu
from jax.experimental.pallas import tpu_sc as plsc

N, L, D, DE, H, A = 10000, 32, 128, 16, 8, 16
NL = N * L
BN_ = 200
NBLK = N // BN_
BN2 = 128
NBLK2 = (N + BN2 - 1) // BN2
R2 = BN2 * L
NW = 32
PER_W = NL // NW
GC = 80
NCH = PER_W // GC
EPS = 1e-5


def _softplus(x):
    return jnp.maximum(x, 0.0) + jnp.log(1.0 + jnp.exp(-jnp.abs(x)))


def _gather_kernel(table_hbm, idx_hbm, out_hbm, idx_v, rows0, rows1,
                   sem0, sem1):
    wid = lax.axis_index("s") * 2 + lax.axis_index("c")
    base = wid * PER_W
    pltpu.sync_copy(idx_hbm.at[wid], idx_v)
    pltpu.async_copy(table_hbm.at[idx_v.at[0]], rows0, sem0)

    def body(p, carry):
        j0 = 2 * p
        j1 = j0 + 1
        pltpu.async_copy(table_hbm.at[idx_v.at[j1]], rows1, sem1)
        pltpu.make_async_copy(table_hbm.at[idx_v.at[j0]], rows0, sem0).wait()
        pltpu.sync_copy(rows0, out_hbm.at[pl.ds(base + j0 * GC, GC)])
        pltpu.async_copy(table_hbm.at[idx_v.at[j0 + 2]], rows0, sem0)
        pltpu.make_async_copy(table_hbm.at[idx_v.at[j1]], rows1, sem1).wait()
        pltpu.sync_copy(rows1, out_hbm.at[pl.ds(base + j1 * GC, GC)])
        return carry

    lax.fori_loop(0, (NCH - 1) // 2, body, 0)
    jl = NCH - 1
    pltpu.make_async_copy(table_hbm.at[idx_v.at[jl]], rows0, sem0).wait()
    pltpu.sync_copy(rows0, out_hbm.at[pl.ds(base + jl * GC, GC)])


def _sc_gather(table, idx2d):
    mesh = plsc.VectorSubcoreMesh(core_axis_name="c", subcore_axis_name="s")
    return pl.kernel(
        _gather_kernel,
        out_type=jax.ShapeDtypeStruct((NL, D), jnp.float32),
        mesh=mesh,
        scratch_types=[
            pltpu.VMEM((NCH, GC), jnp.int32),
            pltpu.VMEM((GC, D), jnp.float32),
            pltpu.VMEM((GC, D), jnp.float32),
            pltpu.SemaphoreType.DMA,
            pltpu.SemaphoreType.DMA,
        ],
    )(table, idx2d)


def _node_mask(i, shape, axis):
    n0 = lax.broadcasted_iota(jnp.int32, shape, axis) + i * BN2
    return n0 < N


def _t1_body(n_ref, g_ref, e_ref, wes, wen, wee, b_ref, acc_ref):
    i = pl.program_id(0)
    bf16 = jnp.bfloat16
    g2 = g_ref[...].reshape(R2, D).astype(bf16)
    e2 = jnp.transpose(e_ref[...].astype(bf16), (2, 0, 1)).reshape(R2, DE)
    zs = jnp.dot(n_ref[...].astype(bf16), wes[...],
                 preferred_element_type=jnp.float32)
    zn = jnp.dot(g2, wen[...], preferred_element_type=jnp.float32)
    ze = jnp.dot(e2, wee[...], preferred_element_type=jnp.float32)
    e3 = zs[:, None, :] + (zn + ze).reshape(BN2, L, DE) + b_ref[0, :]
    e3 = jnp.where(_node_mask(i, (BN2, 1, 1), 0), e3, 0.0)
    s = jnp.sum(e3, axis=(0, 1))
    ss = jnp.sum(e3 * e3, axis=(0, 1))
    st = jnp.concatenate([s[None, :], ss[None, :]], axis=0)

    @pl.when(i == 0)
    def _():
        acc_ref[...] = jnp.zeros_like(acc_ref)

    acc_ref[...] += st


def _t3_body(n_ref, g_ref, e_ref, acc1, wes, wen, wee, eb, w1s, w1n, w1e, b1,
             wvs, wvn, wve, bv, w2b, b2, exp_ref, eo_ref, w_ref, acc_ref):
    i = pl.program_id(0)
    bf16 = jnp.bfloat16
    g2 = g_ref[...].reshape(R2, D).astype(bf16)
    nblk = n_ref[...].astype(bf16)
    e3d = jnp.transpose(e_ref[...].astype(bf16), (2, 0, 1))
    e2 = e3d.reshape(R2, DE)
    zs = jnp.dot(nblk, wes[...], preferred_element_type=jnp.float32)
    zn = jnp.dot(g2, wen[...], preferred_element_type=jnp.float32)
    ze = jnp.dot(e2, wee[...], preferred_element_type=jnp.float32)
    ep3 = zs[:, None, :] + (zn + ze).reshape(BN2, L, DE) + eb[0, :]
    m1 = acc1[0, :] / NL
    rs1 = lax.rsqrt(acc1[1, :] / NL - m1 * m1 + EPS)
    eo3 = _softplus(e3d.astype(jnp.float32) + (ep3 - m1) * rs1)
    eo_ref[...] = jnp.transpose(eo3.astype(bf16), (1, 2, 0)
                                ).astype(jnp.float32)
    eo2 = eo3.reshape(R2, DE).astype(bf16)
    ps = jnp.dot(nblk, w1s[...], preferred_element_type=jnp.float32)
    vs = jnp.dot(nblk, wvs[...], preferred_element_type=jnp.float32)
    hid3 = _softplus(
        (jnp.dot(g2, w1n[...], preferred_element_type=jnp.float32)
         + jnp.dot(eo2, w1e[...], preferred_element_type=jnp.float32)
         ).reshape(BN2, L, H * A) + ps[:, None, :] + b1[0, :])
    lg = (jnp.dot(hid3.reshape(R2, H * A).astype(bf16), w2b[...],
                  preferred_element_type=jnp.float32) + b2[0, :]
          ).reshape(BN2, L, H)
    mx = jnp.max(lg, axis=1, keepdims=True)
    ex = jnp.exp(lg - mx)
    a3 = ex / jnp.sum(ex, axis=1, keepdims=True)
    aexp = jnp.dot(a3.reshape(R2, H).astype(bf16), exp_ref[...],
                   preferred_element_type=jnp.float32).reshape(BN2, L, H * A)
    v3 = (jnp.dot(g2, wvn[...], preferred_element_type=jnp.float32)
          + jnp.dot(eo2, wve[...], preferred_element_type=jnp.float32)
          ).reshape(BN2, L, H * A) + vs[:, None, :] + bv[0, :]
    w3 = jnp.where(_node_mask(i, (BN2, 1, 1), 0), aexp * v3, 0.0)
    w_ref[...] = w3.astype(jnp.bfloat16)
    s = jnp.sum(w3, axis=(0, 1))
    ss = jnp.sum(w3 * w3, axis=(0, 1))
    st = jnp.concatenate([s[None, :], ss[None, :]], axis=0)

    @pl.when(i == 0)
    def _():
        acc_ref[...] = jnp.zeros_like(acc_ref)

    acc_ref[...] += st


def _t4_body(w_ref, acc3, cat_ref, acc_ref):
    i = pl.program_id(0)
    m = acc3[0, :] / NL
    rs = lax.rsqrt(acc3[1, :] / NL - m * m + EPS)
    hv = _softplus((w_ref[...].astype(jnp.float32) - m) * rs)
    cat = jnp.sum(hv, axis=1)
    cat_ref[...] = cat
    s = jnp.sum(cat, axis=0)
    ss = jnp.sum(cat * cat, axis=0)
    st = jnp.concatenate([s[None, :], ss[None, :]], axis=0)

    @pl.when(i == 0)
    def _():
        acc_ref[...] = jnp.zeros_like(acc_ref)

    acc_ref[...] += st


def _t5_body(n_ref, cat_ref, acc4, out_ref):
    m = acc4[0, :] / N
    rs = lax.rsqrt(acc4[1, :] / N - m * m + EPS)
    out_ref[...] = n_ref[...] + (cat_ref[...] - m) * rs


def _full(shape):
    nd = len(shape)
    return pl.BlockSpec(shape, lambda i: (0,) * nd)


_SEQ = pltpu.CompilerParams(dimension_semantics=("arbitrary",))


def _tc_pipeline(node_features, gathered3, edge_features, edge_W, edge_b,
                 att_W1, att_b1, att_W2, att_b2, val_W, val_b):
    f32 = jnp.float32
    bf16 = jnp.bfloat16
    wes = edge_W[:D].astype(bf16)
    wen = edge_W[D:2 * D].astype(bf16)
    wee = edge_W[2 * D:].astype(bf16)
    w1cat = jnp.transpose(att_W1, (1, 0, 2)).reshape(2 * D + DE, H * A)
    w1s = w1cat[:D].astype(bf16)
    w1n = w1cat[D:2 * D].astype(bf16)
    w1e = w1cat[2 * D:].astype(bf16)
    wvcat = jnp.transpose(val_W, (1, 0, 2)).reshape(2 * D + DE, H * A)
    wvs = wvcat[:D].astype(bf16)
    wvn = wvcat[D:2 * D].astype(bf16)
    wve = wvcat[2 * D:].astype(bf16)
    b1 = att_b1.reshape(1, H * A)
    bv = val_b.reshape(1, H * A)
    w2b = jax.scipy.linalg.block_diag(
        *[att_W2[hh] for hh in range(H)]).astype(bf16)
    b2 = att_b2.reshape(1, H)
    expander = jnp.repeat(jnp.eye(H, dtype=bf16), A, axis=1)
    eb = edge_b.reshape(1, DE)

    nspec = pl.BlockSpec((BN_, D), lambda i: (i, 0))
    gspec = pl.BlockSpec((BN_, L, D), lambda i: (i, 0, 0))
    nspec2 = pl.BlockSpec((BN2, D), lambda i: (i, 0))
    gspec2 = pl.BlockSpec((BN2, L, D), lambda i: (i, 0, 0))
    espec_t = pl.BlockSpec((L, DE, BN2), lambda i: (0, 0, i))
    ef_t = jnp.transpose(edge_features, (1, 2, 0))

    acc1 = pl.pallas_call(
        _t1_body,
        grid=(NBLK2,),
        in_specs=[nspec2, gspec2, espec_t, _full((D, DE)), _full((D, DE)),
                  _full((DE, DE)), _full((1, DE))],
        compiler_params=_SEQ,
        out_specs=_full((2, DE)),
        out_shape=jax.ShapeDtypeStruct((2, DE), f32),
    )(node_features, gathered3, ef_t, wes, wen, wee, eb)

    edge_out_t, weighted, acc3 = pl.pallas_call(
        _t3_body,
        grid=(NBLK2,),
        in_specs=[nspec2, gspec2, espec_t, _full((2, DE)),
                  _full((D, DE)), _full((D, DE)), _full((DE, DE)),
                  _full((1, DE)),
                  _full((D, H * A)), _full((D, H * A)), _full((DE, H * A)),
                  _full((1, H * A)),
                  _full((D, H * A)), _full((D, H * A)), _full((DE, H * A)),
                  _full((1, H * A)),
                  _full((H * A, H)), _full((1, H)), _full((H, H * A))],
        out_specs=[espec_t, gspec2, _full((2, H * A))],
        out_shape=[jax.ShapeDtypeStruct((L, DE, N), f32),
                   jax.ShapeDtypeStruct((N, L, H * A), jnp.bfloat16),
                   jax.ShapeDtypeStruct((2, H * A), f32)],
        compiler_params=_SEQ,
    )(node_features, gathered3, ef_t, acc1, wes, wen, wee, eb,
      w1s, w1n, w1e, b1, wvs, wvn, wve, bv, w2b, b2, expander)
    edge_out = jnp.transpose(edge_out_t, (2, 0, 1))

    cat, acc4 = pl.pallas_call(
        _t4_body,
        grid=(NBLK,),
        in_specs=[gspec, _full((2, H * A))],
        out_specs=[nspec, _full((2, H * A))],
        out_shape=[jax.ShapeDtypeStruct((N, H * A), f32),
                   jax.ShapeDtypeStruct((2, H * A), f32)],
        compiler_params=_SEQ,
    )(weighted, acc3)

    n5spec = pl.BlockSpec((1000, D), lambda i: (i, 0))
    atom_out = pl.pallas_call(
        _t5_body,
        grid=(10,),
        in_specs=[n5spec, n5spec, _full((2, H * A))],
        out_specs=n5spec,
        out_shape=jax.ShapeDtypeStruct((N, D), f32),
        compiler_params=_SEQ,
    )(node_features, cat, acc4)

    return atom_out, edge_out


def kernel(node_features, edge_features, neighbor_indices, neighbor_masks,
           h, c, edge_W, edge_b, att_W1, att_b1, att_W2, att_b2, val_W,
           val_b):
    idx2d = neighbor_indices.astype(jnp.int32).reshape(NW, NCH, GC)
    gathered3 = _sc_gather(node_features, idx2d).reshape(N, L, D)
    atom_out, edge_out = _tc_pipeline(
        node_features, gathered3, edge_features, edge_W, edge_b,
        att_W1, att_b1, att_W2, att_b2, val_W, val_b)
    return (atom_out, edge_out, h, c)

# --- scband reference (transcript-rebuilt; emitter-appended) ---
"""Pipeline reference for scband-gnnlayer-66838281061309 (READ-ONLY COPY).

The authoritative reference and input builder live on the scoring server;
editing this copy changes nothing except your own understanding.
"""

import jax, jax.numpy as jnp
import numpy as np

N = 10000; L = 32; D = 128; DE = 16; H = 8; A = 16
IN = 2 * D + DE


def setup_inputs(seed: int = 0):
    key = jax.random.key(seed)
    ks = jax.random.split(key, 8)
    node_features = jax.random.normal(ks[0], (N, D), dtype=jnp.float32)
    edge_features = jax.random.normal(ks[1], (N, L, DE), dtype=jnp.float32)
    neighbor_indices = jax.random.randint(ks[2], (N, L), 0, N)
    neighbor_masks = jnp.ones((N, L), dtype=jnp.float32)
    h = jnp.zeros((1, N, D), dtype=jnp.float32)
    c = jnp.zeros((1, N, D), dtype=jnp.float32)
    edge_W = jax.random.normal(ks[3], (IN, DE), dtype=jnp.float32) * 0.05
    edge_b = jnp.zeros((DE,), dtype=jnp.float32)
    att_W1 = jax.random.normal(ks[4], (H, IN, A), dtype=jnp.float32) * 0.05
    att_b1 = jnp.zeros((H, A), dtype=jnp.float32)
    att_W2 = jax.random.normal(ks[5], (H, A, 1), dtype=jnp.float32) * 0.05
    att_b2 = jnp.zeros((H, 1), dtype=jnp.float32)
    val_W = jax.random.normal(ks[6], (H, IN, A), dtype=jnp.float32) * 0.05
    val_b = jnp.zeros((H, A), dtype=jnp.float32)
    return {"node_features": node_features, "edge_features": edge_features,
            "neighbor_indices": neighbor_indices, "neighbor_masks": neighbor_masks,
            "h": h, "c": c,
            "edge_W": edge_W, "edge_b": edge_b,
            "att_W1": att_W1, "att_b1": att_b1, "att_W2": att_W2, "att_b2": att_b2,
            "val_W": val_W, "val_b": val_b}


def _bn(x):
    # BatchNorm1d in training mode, affine params at default init (gamma=1, beta=0)
    m = jnp.mean(x, axis=0)
    v = jnp.var(x, axis=0)
    return (x - m) * jax.lax.rsqrt(v + 1e-5)


def reference(node_features, edge_features, neighbor_indices, neighbor_masks, h, c,
              edge_W, edge_b, att_W1, att_b1, att_W2, att_b2, val_W, val_b):
    softplus = jax.nn.softplus
    n, l, de = edge_features.shape
    d = node_features.shape[1]
    # pair node feature: [self || neighbor]
    gathered = node_features[neighbor_indices]  # gather [N, L, D]
    pair = jnp.concatenate([jnp.broadcast_to(node_features[:, None, :], (n, l, d)), gathered], axis=2)
    total = jnp.concatenate([pair, edge_features], axis=2)  # [N, L, 2D+DE]
    # edge update (masks are all-ones so packed data == flattened padded data)
    flat = total.reshape(n * l, -1)
    e = _bn(flat @ edge_W + edge_b).reshape(n, l, de)
    edge_out = softplus(edge_features + e)
    total2 = jnp.concatenate([pair, edge_out], axis=2)
    flat2 = total2.reshape(n * l, -1)
    mask = neighbor_masks[:, :, None]
    heads = []
    for hd in range(att_W1.shape[0]):
        # MLP(in -> A -> 1), activate_final=False, Softplus hidden activation
        a = softplus(flat2 @ att_W1[hd] + att_b1[hd]) @ att_W2[hd] + att_b2[hd]
        a = a.reshape(n, l, 1)
        a = jnp.where(mask > 0, a, -jnp.inf)
        a = jax.nn.softmax(a, axis=1)
        v = (flat2 @ val_W[hd] + val_b[hd]).reshape(n, l, -1)
        hv = softplus(_bn((a * v).reshape(n * l, -1))).reshape(n, l, -1)
        heads.append(jnp.sum(hv, axis=1))
    cat = jnp.concatenate(heads, axis=1)  # [N, H*A] == [N, D]
    updated = _bn(cat)  # output_bn (attention_out_linear is None since H*A == D)
    atom_out = node_features + updated  # residual_link
    return (atom_out, edge_out, h, c)

if __name__ == "__main__":
    import jax
    _d = setup_inputs()
    print(jax.jit(kernel)(*tuple(_d.values())))

</pallas_src>

<mosaic_0001>
#map = affine_map<(d0, d1) -> (0, 0)>
#map1 = affine_map<(d0, d1) -> (0, 0, 0)>
module attributes {stable_mosaic.version = 14 : i64} {
  func.func @_gather_kernel(%arg0: i32, %arg1: i32, %arg2: memref<10000x128xf32, #tpu.memory_space<hbm>>, %arg3: memref<32x125x80xi32, #tpu.memory_space<hbm>>, %arg4: memref<320000x128xf32, #tpu.memory_space<hbm>>, %arg5: memref<125x80xi32, #tpu.memory_space<vmem>>, %arg6: memref<80x128xf32, #tpu.memory_space<vmem>>, %arg7: memref<80x128xf32, #tpu.memory_space<vmem>>, %arg8: memref<!tpu.dma_semaphore, #tpu.memory_space<semaphore_mem>>, %arg9: memref<!tpu.dma_semaphore, #tpu.memory_space<semaphore_mem>>) attributes {dimension_semantics = [#tpu.dimension_semantics<core_parallel>, #tpu.dimension_semantics<subcore_parallel>], iteration_bounds = array<i64: 2, 16>, scalar_prefetch = 0 : i64, scratch_operands = 5 : i64, tpu.core_type = #tpu.core_type<sc_vector_subcore>, window_params = [{transform_indices = #map}, {transform_indices = #map1}, {transform_indices = #map}]} {
    %mul3A = arith.constant 2 : i32
    %mul3A_0 = arith.muli %arg1, %mul3A : i32
    %add3A = arith.addi %mul3A_0, %arg0 : i32
    %mul3A_1 = arith.constant 10000 : i32
    %mul3A_2 = arith.muli %add3A, %mul3A_1 : i32
    "tpu.region"() ({
      %run_scoped3A = tpu.sem_alloc : memref<!tpu.dma_semaphore, #tpu.memory_space<semaphore_mem>>
      %dma_start3A_22 = arith.constant 0 : i32
      %dma_start3A_23 = arith.constant 0 : i32
      %dma_start3A_24 = tpu.memref_slice %arg3[%add3A, %dma_start3A_22, %dma_start3A_23] : memref<32x125x80xi32, #tpu.memory_space<hbm>> -> memref<1x125x80xi32, #tpu.memory_space<hbm>>
      %dma_start3A_25 = tpu.memref_squeeze %dma_start3A_24 : memref<1x125x80xi32, #tpu.memory_space<hbm>> -> memref<125x80xi32, #tpu.memory_space<hbm>>
      %dma_start3A_26 = arith.constant 0 : i32
      %dma_start3A_27 = arith.constant 0 : i32
      %dma_start3A_28 = tpu.memref_slice %arg3[%add3A, %dma_start3A_26, %dma_start3A_27] : memref<32x125x80xi32, #tpu.memory_space<hbm>> -> memref<1x125x80xi32, #tpu.memory_space<hbm>>
      %dma_start3A_29 = tpu.memref_squeeze %dma_start3A_28 : memref<1x125x80xi32, #tpu.memory_space<hbm>> -> memref<125x80xi32, #tpu.memory_space<hbm>>
      tpu.enqueue_dma source(%dma_start3A_29 : memref<125x80xi32, #tpu.memory_space<hbm>>) target(%arg5 : memref<125x80xi32, #tpu.memory_space<vmem>>) target_semaphore(%run_scoped3A : memref<!tpu.dma_semaphore, #tpu.memory_space<semaphore_mem>>)
      %dma_wait3A_30 = arith.constant 0 : i32
      %dma_wait3A_31 = arith.constant 0 : i32
      %dma_wait3A_32 = tpu.memref_slice %arg3[%add3A, %dma_wait3A_30, %dma_wait3A_31] : memref<32x125x80xi32, #tpu.memory_space<hbm>> -> memref<1x125x80xi32, #tpu.memory_space<hbm>>
      %dma_wait3A_33 = tpu.memref_squeeze %dma_wait3A_32 : memref<1x125x80xi32, #tpu.memory_space<hbm>> -> memref<125x80xi32, #tpu.memory_space<hbm>>
      %dma_wait3A_34 = arith.constant 0 : i32
      %dma_wait3A_35 = arith.constant 0 : i32
      %dma_wait3A_36 = tpu.memref_slice %arg3[%add3A, %dma_wait3A_34, %dma_wait3A_35] : memref<32x125x80xi32, #tpu.memory_space<hbm>> -> memref<1x125x80xi32, #tpu.memory_space<hbm>>
      %dma_wait3A_37 = tpu.memref_squeeze %dma_wait3A_36 : memref<1x125x80xi32, #tpu.memory_space<hbm>> -> memref<125x80xi32, #tpu.memory_space<hbm>>
      tpu.wait_dma2 semaphore(%run_scoped3A : memref<!tpu.dma_semaphore, #tpu.memory_space<semaphore_mem>>) src(%dma_wait3A_37 : memref<125x80xi32, #tpu.memory_space<hbm>>) dst(%arg5 : memref<125x80xi32, #tpu.memory_space<vmem>>)
      tpu.yield
    }) : () -> ()
    %dma_start3A = arith.constant 0 : i32
    %dma_start3A_3 = arith.constant 0 : i32
    %dma_start3A_4 = tpu.memref_slice %arg5[%dma_start3A, %dma_start3A_3] : memref<125x80xi32, #tpu.memory_space<vmem>> -> memref<1x80xi32, #tpu.memory_space<vmem>>
    %dma_start3A_5 = tpu.memref_squeeze %dma_start3A_4 : memref<1x80xi32, #tpu.memory_space<vmem>> -> memref<80xi32, #tpu.memory_space<vmem>>
    %dma_start3A_6 = arith.constant 0 : i32
    %dma_start3A_7 = arith.constant 0 : i32
    %dma_start3A_8 = tpu.memref_slice %arg2[%dma_start3A_6, %dma_start3A_7] : memref<10000x128xf32, #tpu.memory_space<hbm>> -> memref<10000x128xf32, #tpu.memory_space<hbm>>
    tpu.enqueue_indirect_dma source(%dma_start3A_8 : memref<10000x128xf32, #tpu.memory_space<hbm>>) target(%arg6 : memref<80x128xf32, #tpu.memory_space<vmem>>) offsets(%dma_start3A_5 : memref<80xi32, #tpu.memory_space<vmem>>) semaphore(%arg8 : memref<!tpu.dma_semaphore, #tpu.memory_space<semaphore_mem>>)
    %scan3A = arith.constant 0 : i32
    %scan3A_9 = arith.constant 0 : i32
    %scan3A_10 = arith.constant 62 : i32
    %scan3A_11 = arith.addi %scan3A_9, %scan3A_10 : i32
    %scan3A_12 = arith.constant 1 : i32
    scf.for %scan3A_22 = %scan3A_9 to %scan3A_11 step %scan3A_12  : i32 {
      %mul3A_23 = arith.constant 2 : i32
      %mul3A_24 = arith.muli %mul3A_23, %scan3A_22 : i32
      %add3A_25 = arith.constant 1 : i32
      %add3A_26 = arith.addi %mul3A_24, %add3A_25 : i32
      %dma_start3A_27 = arith.constant 0 : i32
      %dma_start3A_28 = tpu.memref_slice %arg5[%add3A_26, %dma_start3A_27] : memref<125x80xi32, #tpu.memory_space<vmem>> -> memref<1x80xi32, #tpu.memory_space<vmem>>
      %dma_start3A_29 = tpu.memref_squeeze %dma_start3A_28 : memref<1x80xi32, #tpu.memory_space<vmem>> -> memref<80xi32, #tpu.memory_space<vmem>>
      %dma_start3A_30 = arith.constant 0 : i32
      %dma_start3A_31 = arith.constant 0 : i32
      %dma_start3A_32 = tpu.memref_slice %arg2[%dma_start3A_30, %dma_start3A_31] : memref<10000x128xf32, #tpu.memory_space<hbm>> -> memref<10000x128xf32, #tpu.memory_space<hbm>>
      tpu.enqueue_indirect_dma source(%dma_start3A_32 : memref<10000x128xf32, #tpu.memory_space<hbm>>) target(%arg7 : memref<80x128xf32, #tpu.memory_space<vmem>>) offsets(%dma_start3A_29 : memref<80xi32, #tpu.memory_space<vmem>>) semaphore(%arg9 : memref<!tpu.dma_semaphore, #tpu.memory_space<semaphore_mem>>)
      %dma_wait3A_33 = arith.constant 0 : i32
      %dma_wait3A_34 = tpu.memref_slice %arg5[%mul3A_24, %dma_wait3A_33] : memref<125x80xi32, #tpu.memory_space<vmem>> -> memref<1x80xi32, #tpu.memory_space<vmem>>
      %dma_wait3A_35 = tpu.memref_squeeze %dma_wait3A_34 : memref<1x80xi32, #tpu.memory_space<vmem>> -> memref<80xi32, #tpu.memory_space<vmem>>
      %dma_wait3A_36 = arith.constant 0 : i32
      %dma_wait3A_37 = arith.constant 0 : i32
      %dma_wait3A_38 = tpu.memref_slice %arg2[%dma_wait3A_36, %dma_wait3A_37] : memref<10000x128xf32, #tpu.memory_space<hbm>> -> memref<10000x128xf32, #tpu.memory_space<hbm>>
      tpu.wait_indirect_dma semaphore(%arg8 : memref<!tpu.dma_semaphore, #tpu.memory_space<semaphore_mem>>) src(%dma_wait3A_38 : memref<10000x128xf32, #tpu.memory_space<hbm>>) dst(%arg6 : memref<80x128xf32, #tpu.memory_space<vmem>>)
      %mul3A_39 = arith.constant 80 : i32
      %mul3A_40 = arith.muli %mul3A_24, %mul3A_39 : i32
      %add3A_41 = arith.addi %mul3A_2, %mul3A_40 : i32
      "tpu.region"() ({
        %run_scoped3A = tpu.sem_alloc : memref<!tpu.dma_semaphore, #tpu.memory_space<semaphore_mem>>
        %dma_start3A_59 = arith.constant 0 : i32
        %dma_start3A_60 = tpu.memref_slice %arg4[%add3A_41, %dma_start3A_59] : memref<320000x128xf32, #tpu.memory_space<hbm>> -> memref<80x128xf32, #tpu.memory_space<hbm>>
        %dma_start3A_61 = arith.constant 0 : i32
        %dma_start3A_62 = tpu.memref_slice %arg4[%add3A_41, %dma_start3A_61] : memref<320000x128xf32, #tpu.memory_space<hbm>> -> memref<80x128xf32, #tpu.memory_space<hbm>>
        tpu.enqueue_dma source(%arg6 : memref<80x128xf32, #tpu.memory_space<vmem>>) target(%dma_start3A_62 : memref<80x128xf32, #tpu.memory_space<hbm>>) target_semaphore(%run_scoped3A : memref<!tpu.dma_semaphore, #tpu.memory_space<semaphore_mem>>)
        %dma_wait3A_63 = arith.constant 0 : i32
        %dma_wait3A_64 = tpu.memref_slice %arg4[%add3A_41, %dma_wait3A_63] : memref<320000x128xf32, #tpu.memory_space<hbm>> -> memref<80x128xf32, #tpu.memory_space<hbm>>
        %dma_wait3A_65 = arith.constant 0 : i32
        %dma_wait3A_66 = tpu.memref_slice %arg4[%add3A_41, %dma_wait3A_65] : memref<320000x128xf32, #tpu.memory_space<hbm>> -> memref<80x128xf32, #tpu.memory_space<hbm>>
        tpu.wait_dma2 semaphore(%run_scoped3A : memref<!tpu.dma_semaphore, #tpu.memory_space<semaphore_mem>>) src(%arg6 : memref<80x128xf32, #tpu.memory_space<vmem>>) dst(%dma_wait3A_66 : memref<80x128xf32, #tpu.memory_space<hbm>>)
        tpu.yield
      }) : () -> ()
      %add3A_42 = arith.constant 2 : i32
      %add3A_43 = arith.addi %mul3A_24, %add3A_42 : i32
      %dma_start3A_44 = arith.constant 0 : i32
      %dma_start3A_45 = tpu.memref_slice %arg5[%add3A_43, %dma_start3A_44] : memref<125x80xi32, #tpu.memory_space<vmem>> -> memref<1x80xi32, #tpu.memory_space<vmem>>
      %dma_start3A_46 = tpu.memref_squeeze %dma_start3A_45 : memref<1x80xi32, #tpu.memory_space<vmem>> -> memref<80xi32, #tpu.memory_space<vmem>>
      %dma_start3A_47 = arith.constant 0 : i32
      %dma_start3A_48 = arith.constant 0 : i32
      %dma_start3A_49 = tpu.memref_slice %arg2[%dma_start3A_47, %dma_start3A_48] : memref<10000x128xf32, #tpu.memory_space<hbm>> -> memref<10000x128xf32, #tpu.memory_space<hbm>>
      tpu.enqueue_indirect_dma source(%dma_start3A_49 : memref<10000x128xf32, #tpu.memory_space<hbm>>) target(%arg6 : memref<80x128xf32, #tpu.memory_space<vmem>>) offsets(%dma_start3A_46 : memref<80xi32, #tpu.memory_space<vmem>>) semaphore(%arg8 : memref<!tpu.dma_semaphore, #tpu.memory_space<semaphore_mem>>)
      %dma_wait3A_50 = arith.constant 0 : i32
      %dma_wait3A_51 = tpu.memref_slice %arg5[%add3A_26, %dma_wait3A_50] : memref<125x80xi32, #tpu.memory_space<vmem>> -> memref<1x80xi32, #tpu.memory_space<vmem>>
      %dma_wait3A_52 = tpu.memref_squeeze %dma_wait3A_51 : memref<1x80xi32, #tpu.memory_space<vmem>> -> memref<80xi32, #tpu.memory_space<vmem>>
      %dma_wait3A_53 = arith.constant 0 : i32
      %dma_wait3A_54 = arith.constant 0 : i32
      %dma_wait3A_55 = tpu.memref_slice %arg2[%dma_wait3A_53, %dma_wait3A_54] : memref<10000x128xf32, #tpu.memory_space<hbm>> -> memref<10000x128xf32, #tpu.memory_space<hbm>>
      tpu.wait_indirect_dma semaphore(%arg9 : memref<!tpu.dma_semaphore, #tpu.memory_space<semaphore_mem>>) src(%dma_wait3A_55 : memref<10000x128xf32, #tpu.memory_space<hbm>>) dst(%arg7 : memref<80x128xf32, #tpu.memory_space<vmem>>)
      %mul3A_56 = arith.constant 80 : i32
      %mul3A_57 = arith.muli %add3A_26, %mul3A_56 : i32
      %add3A_58 = arith.addi %mul3A_2, %mul3A_57 : i32
      "tpu.region"() ({
        %run_scoped3A = tpu.sem_alloc : memref<!tpu.dma_semaphore, #tpu.memory_space<semaphore_mem>>
        %dma_start3A_59 = arith.constant 0 : i32
        %dma_start3A_60 = tpu.memref_slice %arg4[%add3A_58, %dma_start3A_59] : memref<320000x128xf32, #tpu.memory_space<hbm>> -> memref<80x128xf32, #tpu.memory_space<hbm>>
        %dma_start3A_61 = arith.constant 0 : i32
        %dma_start3A_62 = tpu.memref_slice %arg4[%add3A_58, %dma_start3A_61] : memref<320000x128xf32, #tpu.memory_space<hbm>> -> memref<80x128xf32, #tpu.memory_space<hbm>>
        tpu.enqueue_dma source(%arg7 : memref<80x128xf32, #tpu.memory_space<vmem>>) target(%dma_start3A_62 : memref<80x128xf32, #tpu.memory_space<hbm>>) target_semaphore(%run_scoped3A : memref<!tpu.dma_semaphore, #tpu.memory_space<semaphore_mem>>)
        %dma_wait3A_63 = arith.constant 0 : i32
        %dma_wait3A_64 = tpu.memref_slice %arg4[%add3A_58, %dma_wait3A_63] : memref<320000x128xf32, #tpu.memory_space<hbm>> -> memref<80x128xf32, #tpu.memory_space<hbm>>
        %dma_wait3A_65 = arith.constant 0 : i32
        %dma_wait3A_66 = tpu.memref_slice %arg4[%add3A_58, %dma_wait3A_65] : memref<320000x128xf32, #tpu.memory_space<hbm>> -> memref<80x128xf32, #tpu.memory_space<hbm>>
        tpu.wait_dma2 semaphore(%run_scoped3A : memref<!tpu.dma_semaphore, #tpu.memory_space<semaphore_mem>>) src(%arg7 : memref<80x128xf32, #tpu.memory_space<vmem>>) dst(%dma_wait3A_66 : memref<80x128xf32, #tpu.memory_space<hbm>>)
        tpu.yield
      }) : () -> ()
    }
    %scan3A_13 = arith.constant 62 : i32
    %dma_wait3A = arith.constant 124 : i32
    %dma_wait3A_14 = arith.constant 0 : i32
    %dma_wait3A_15 = tpu.memref_slice %arg5[%dma_wait3A, %dma_wait3A_14] : memref<125x80xi32, #tpu.memory_space<vmem>> -> memref<1x80xi32, #tpu.memory_space<vmem>>
    %dma_wait3A_16 = tpu.memref_squeeze %dma_wait3A_15 : memref<1x80xi32, #tpu.memory_space<vmem>> -> memref<80xi32, #tpu.memory_space<vmem>>
    %dma_wait3A_17 = arith.constant 0 : i32
    %dma_wait3A_18 = arith.constant 0 : i32
    %dma_wait3A_19 = tpu.memref_slice %arg2[%dma_wait3A_17, %dma_wait3A_18] : memref<10000x128xf32, #tpu.memory_space<hbm>> -> memref<10000x128xf32, #tpu.memory_space<hbm>>
    tpu.wait_indirect_dma semaphore(%arg8 : memref<!tpu.dma_semaphore, #tpu.memory_space<semaphore_mem>>) src(%dma_wait3A_19 : memref<10000x128xf32, #tpu.memory_space<hbm>>) dst(%arg6 : memref<80x128xf32, #tpu.memory_space<vmem>>)
    %add3A_20 = arith.constant 9920 : i32
    %add3A_21 = arith.addi %mul3A_2, %add3A_20 : i32
    "tpu.region"() ({
      %run_scoped3A = tpu.sem_alloc : memref<!tpu.dma_semaphore, #tpu.memory_space<semaphore_mem>>
      %dma_start3A_22 = arith.constant 0 : i32
      %dma_start3A_23 = tpu.memref_slice %arg4[%add3A_21, %dma_start3A_22] : memref<320000x128xf32, #tpu.memory_space<hbm>> -> memref<80x128xf32, #tpu.memory_space<hbm>>
      %dma_start3A_24 = arith.constant 0 : i32
      %dma_start3A_25 = tpu.memref_slice %arg4[%add3A_21, %dma_start3A_24] : memref<320000x128xf32, #tpu.memory_space<hbm>> -> memref<80x128xf32, #tpu.memory_space<hbm>>
      tpu.enqueue_dma source(%arg6 : memref<80x128xf32, #tpu.memory_space<vmem>>) target(%dma_start3A_25 : memref<80x128xf32, #tpu.memory_space<hbm>>) target_semaphore(%run_scoped3A : memref<!tpu.dma_semaphore, #tpu.memory_space<semaphore_mem>>)
      %dma_wait3A_26 = arith.constant 0 : i32
      %dma_wait3A_27 = tpu.memref_slice %arg4[%add3A_21, %dma_wait3A_26] : memref<320000x128xf32, #tpu.memory_space<hbm>> -> memref<80x128xf32, #tpu.memory_space<hbm>>
      %dma_wait3A_28 = arith.constant 0 : i32
      %dma_wait3A_29 = tpu.memref_slice %arg4[%add3A_21, %dma_wait3A_28] : memref<320000x128xf32, #tpu.memory_space<hbm>> -> memref<80x128xf32, #tpu.memory_space<hbm>>
      tpu.wait_dma2 semaphore(%run_scoped3A : memref<!tpu.dma_semaphore, #tpu.memory_space<semaphore_mem>>) src(%arg6 : memref<80x128xf32, #tpu.memory_space<vmem>>) dst(%dma_wait3A_29 : memref<80x128xf32, #tpu.memory_space<hbm>>)
      tpu.yield
    }) : () -> ()
    return
  }
}

module attributes {stable_mosaic.version = 14 : i64} {
  func.func @_t3_body(%arg0: i32, %arg1: memref<128x128xf32, #tpu.memory_space<vmem>>, %arg2: memref<128x32x128xf32, #tpu.memory_space<vmem>>, %arg3: memref<32x16x128xf32, #tpu.memory_space<vmem>>, %arg4: memref<2x16xf32, #tpu.memory_space<vmem>>, %arg5: memref<128x16xbf16, #tpu.memory_space<vmem>>, %arg6: memref<128x16xbf16, #tpu.memory_space<vmem>>, %arg7: memref<16x16xbf16, #tpu.memory_space<vmem>>, %arg8: memref<1x16xf32, #tpu.memory_space<vmem>>, %arg9: memref<128x128xbf16, #tpu.memory_space<vmem>>, %arg10: memref<128x128xbf16, #tpu.memory_space<vmem>>, %arg11: memref<16x128xbf16, #tpu.memory_space<vmem>>, %arg12: memref<1x128xf32, #tpu.memory_space<vmem>>, %arg13: memref<128x128xbf16, #tpu.memory_space<vmem>>, %arg14: memref<128x128xbf16, #tpu.memory_space<vmem>>, %arg15: memref<16x128xbf16, #tpu.memory_space<vmem>>, %arg16: memref<1x128xf32, #tpu.memory_space<vmem>>, %arg17: memref<128x8xbf16, #tpu.memory_space<vmem>>, %arg18: memref<1x8xf32, #tpu.memory_space<vmem>>, %arg19: memref<8x128xbf16, #tpu.memory_space<vmem>>, %arg20: memref<32x16x128xf32, #tpu.memory_space<vmem>>, %arg21: memref<128x32x128xbf16, #tpu.memory_space<vmem>>, %arg22: memref<2x128xf32, #tpu.memory_space<vmem>>) attributes {dimension_semantics = [#tpu.dimension_semantics<arbitrary>], iteration_bounds = array<i64: 79>, scalar_prefetch = 0 : i64, scratch_operands = 0 : i64, tpu.core_type = #tpu.core_type<tc>, window_params = [{transform_indices = @transform_0, window_bounds = array<i64: 128, 128>}, {transform_indices = @transform_1, window_bounds = array<i64: 128, 32, 128>}, {transform_indices = @transform_2, window_bounds = array<i64: 32, 16, 128>}, {pipeline_mode = #tpu.pipeline_mode<synchronous>, transform_indices = @transform_3, window_bounds = array<i64: 2, 16>}, {pipeline_mode = #tpu.pipeline_mode<synchronous>, transform_indices = @transform_4, window_bounds = array<i64: 128, 16>}, {pipeline_mode = #tpu.pipeline_mode<synchronous>, transform_indices = @transform_5, window_bounds = array<i64: 128, 16>}, {pipeline_mode = #tpu.pipeline_mode<synchronous>, transform_indices = @transform_6, window_bounds = array<i64: 16, 16>}, {pipeline_mode = #tpu.pipeline_mode<synchronous>, transform_indices = @transform_7, window_bounds = array<i64: 1, 16>}, {pipeline_mode = #tpu.pipeline_mode<synchronous>, transform_indices = @transform_8, window_bounds = array<i64: 128, 128>}, {pipeline_mode = #tpu.pipeline_mode<synchronous>, transform_indices = @transform_9, window_bounds = array<i64: 128, 128>}, {pipeline_mode = #tpu.pipeline_mode<synchronous>, transform_indices = @transform_10, window_bounds = array<i64: 16, 128>}, {pipeline_mode = #tpu.pipeline_mode<synchronous>, transform_indices = @transform_11, window_bounds = array<i64: 1, 128>}, {pipeline_mode = #tpu.pipeline_mode<synchronous>, transform_indices = @transform_12, window_bounds = array<i64: 128, 128>}, {pipeline_mode = #tpu.pipeline_mode<synchronous>, transform_indices = @transform_13, window_bounds = array<i64: 128, 128>}, {pipeline_mode = #tpu.pipeline_mode<synchronous>, transform_indices = @transform_14, window_bounds = array<i64: 16, 128>}, {pipeline_mode = #tpu.pipeline_mode<synchronous>, transform_indices = @transform_15, window_bounds = array<i64: 1, 128>}, {pipeline_mode = #tpu.pipeline_mode<synchronous>, transform_indices = @transform_16, window_bounds = array<i64: 128, 8>}, {pipeline_mode = #tpu.pipeline_mode<synchronous>, transform_indices = @transform_17, window_bounds = array<i64: 1, 8>}, {pipeline_mode = #tpu.pipeline_mode<synchronous>, transform_indices = @transform_18, window_bounds = array<i64: 8, 128>}, {transform_indices = @transform_19, window_bounds = array<i64: 32, 16, 128>}, {transform_indices = @transform_20, window_bounds = array<i64: 128, 32, 128>}, {pipeline_mode = #tpu.pipeline_mode<synchronous>, transform_indices = @transform_21, window_bounds = array<i64: 2, 128>}]} {
    %get3A = arith.constant 0 : index
    %get3A_0 = arith.constant 0 : index
    %get3A_1 = arith.constant 0 : index
    %get3A_2 = vector.load %arg2[%get3A, %get3A_0, %get3A_1] : memref<128x32x128xf32, #tpu.memory_space<vmem>>, vector<128x32x128xf32>
    %reshape3A = vector.shape_cast %get3A_2 : vector<128x32x128xf32> to vector<4096x128xf32>
    %convert_element_type3A = arith.truncf %reshape3A : vector<4096x128xf32> to vector<4096x128xbf16>
    %get3A_3 = arith.constant 0 : index
    %get3A_4 = arith.constant 0 : index
    %get3A_5 = vector.load %arg1[%get3A_3, %get3A_4] : memref<128x128xf32, #tpu.memory_space<vmem>>, vector<128x128xf32>
    %convert_element_type3A_6 = arith.truncf %get3A_5 : vector<128x128xf32> to vector<128x128xbf16>
    %get3A_7 = arith.constant 0 : index
    %get3A_8 = arith.constant 0 : index
    %get3A_9 = arith.constant 0 : index
    %get3A_10 = vector.load %arg3[%get3A_7, %get3A_8, %get3A_9] : memref<32x16x128xf32, #tpu.memory_space<vmem>>, vector<32x16x128xf32>
    %convert_element_type3A_11 = arith.truncf %get3A_10 : vector<32x16x128xf32> to vector<32x16x128xbf16>
    %transpose3A = tpu.transpose %convert_element_type3A_11, [2, 0, 1] : vector<32x16x128xbf16> -> vector<128x32x16xbf16>
    %reshape3A_12 = vector.shape_cast %transpose3A : vector<128x32x16xbf16> to vector<4096x16xbf16>
    %get3A_13 = arith.constant 0 : index
    %get3A_14 = arith.constant 0 : index
    %get3A_15 = vector.load %arg5[%get3A_13, %get3A_14] : memref<128x16xbf16, #tpu.memory_space<vmem>>, vector<128x16xbf16>
    %dot_general3A = arith.constant dense<0.000000e+00> : vector<128x16xf32>
    %dot_general3A_16 = tpu.matmul %convert_element_type3A_6, %get3A_15, %dot_general3A {dimension_numbers = #tpu.dot_dimension_numbers<[1], [0], [0], [1], [0, 0, 1, 1], [], []>, transpose_lhs_hint = false} : vector<128x128xbf16>, vector<128x16xbf16>, vector<128x16xf32> -> vector<128x16xf32>
    %get3A_17 = arith.constant 0 : index
    %get3A_18 = arith.constant 0 : index
    %get3A_19 = vector.load %arg6[%get3A_17, %get3A_18] : memref<128x16xbf16, #tpu.memory_space<vmem>>, vector<128x16xbf16>
    %dot_general3A_20 = arith.constant dense<0.000000e+00> : vector<4096x16xf32>
    %dot_general3A_21 = tpu.matmul %convert_element_type3A, %get3A_19, %dot_general3A_20 {dimension_numbers = #tpu.dot_dimension_numbers<[1], [0], [0], [1], [0, 0, 1, 1], [], []>, transpose_lhs_hint = false} : vector<4096x128xbf16>, vector<128x16xbf16>, vector<4096x16xf32> -> vector<4096x16xf32>
    %get3A_22 = arith.constant 0 : index
    %get3A_23 = arith.constant 0 : index
    %get3A_24 = vector.load %arg7[%get3A_22, %get3A_23] : memref<16x16xbf16, #tpu.memory_space<vmem>>, vector<16x16xbf16>
    %dot_general3A_25 = arith.constant dense<0.000000e+00> : vector<4096x16xf32>
    %dot_general3A_26 = tpu.matmul %reshape3A_12, %get3A_24, %dot_general3A_25 {dimension_numbers = #tpu.dot_dimension_numbers<[1], [0], [0], [1], [0, 0, 1, 1], [], []>, transpose_lhs_hint = false} : vector<4096x16xbf16>, vector<16x16xbf16>, vector<4096x16xf32> -> vector<4096x16xf32>
    %broadcast_in_dim3A = vector.shape_cast %dot_general3A_16 : vector<128x16xf32> to vector<128x1x16xf32>
    %add3A = arith.addf %dot_general3A_21, %dot_general3A_26 : vector<4096x16xf32>
    %reshape3A_27 = vector.shape_cast %add3A : vector<4096x16xf32> to vector<128x32x16xf32>
    %add3A_28 = vector.broadcast %broadcast_in_dim3A : vector<128x1x16xf32> to vector<128x32x16xf32>
    %add3A_29 = arith.addf %add3A_28, %reshape3A_27 : vector<128x32x16xf32>
    %get3A_30 = arith.constant 0 : index
    %get3A_31 = arith.constant 0 : index
    %get3A_32 = vector.load %arg8[%get3A_30, %get3A_31] : memref<1x16xf32, #tpu.memory_space<vmem>>, vector<1x16xf32>
    %get3A_33 = vector.shape_cast %get3A_32 : vector<1x16xf32> to vector<16xf32>
    %broadcast_in_dim3A_34 = vector.shape_cast %get3A_33 : vector<16xf32> to vector<1x1x16xf32>
    %add3A_35 = vector.broadcast %broadcast_in_dim3A_34 : vector<1x1x16xf32> to vector<128x32x16xf32>
    %add3A_36 = arith.addf %add3A_29, %add3A_35 : vector<128x32x16xf32>
    %get3A_37 = arith.constant 0 : index
    %get3A_38 = arith.constant 0 : index
    %get3A_39 = vector.load %arg4[%get3A_37, %get3A_38] : memref<2x16xf32, #tpu.memory_space<vmem>>, vector<1x16xf32>
    %get3A_40 = vector.shape_cast %get3A_39 : vector<1x16xf32> to vector<16xf32>
    %div3A = arith.constant 3.200000e+05 : f32
    %div3A_41 = vector.broadcast %div3A : f32 to vector<16xf32>
    %div3A_42 = arith.divf %get3A_40, %div3A_41 : vector<16xf32>
    %get3A_43 = arith.constant 1 : index
    %get3A_44 = arith.constant 0 : index
    %get3A_45 = vector.load %arg4[%get3A_43, %get3A_44] : memref<2x16xf32, #tpu.memory_space<vmem>>, vector<1x16xf32>
    %get3A_46 = vector.shape_cast %get3A_45 : vector<1x16xf32> to vector<16xf32>
    %div3A_47 = arith.constant 3.200000e+05 : f32
    %div3A_48 = vector.broadcast %div3A_47 : f32 to vector<16xf32>
    %div3A_49 = arith.divf %get3A_46, %div3A_48 : vector<16xf32>
    %mul3A = arith.mulf %div3A_42, %div3A_42 : vector<16xf32>
    %sub3A = arith.subf %div3A_49, %mul3A : vector<16xf32>
    %add3A_50 = arith.constant 9.99999974E-6 : f32
    %add3A_51 = vector.broadcast %add3A_50 : f32 to vector<16xf32>
    %add3A_52 = arith.addf %sub3A, %add3A_51 : vector<16xf32>
    %rsqrt3A = math.rsqrt %add3A_52 : vector<16xf32>
    %convert_element_type3A_53 = arith.extf %transpose3A : vector<128x32x16xbf16> to vector<128x32x16xf32>
    %broadcast_in_dim3A_54 = vector.shape_cast %div3A_42 : vector<16xf32> to vector<1x1x16xf32>
    %sub3A_55 = vector.broadcast %broadcast_in_dim3A_54 : vector<1x1x16xf32> to vector<128x32x16xf32>
    %sub3A_56 = arith.subf %add3A_36, %sub3A_55 : vector<128x32x16xf32>
    %broadcast_in_dim3A_57 = vector.shape_cast %rsqrt3A : vector<16xf32> to vector<1x1x16xf32>
    %mul3A_58 = vector.broadcast %broadcast_in_dim3A_57 : vector<1x1x16xf32> to vector<128x32x16xf32>
    %mul3A_59 = arith.mulf %sub3A_56, %mul3A_58 : vector<128x32x16xf32>
    %add3A_60 = arith.addf %convert_element_type3A_53, %mul3A_59 : vector<128x32x16xf32>
    %max3A = arith.constant 0.000000e+00 : f32
    %max3A_61 = vector.broadcast %max3A : f32 to vector<128x32x16xf32>
    %max3A_62 = arith.maximumf %add3A_60, %max3A_61 : vector<128x32x16xf32>
    %abs3A = math.absf %add3A_60 : vector<128x32x16xf32>
    %neg3A = arith.constant 0.000000e+00 : f32
    %neg3A_63 = vector.broadcast %neg3A : f32 to vector<128x32x16xf32>
    %neg3A_64 = arith.subf %neg3A_63, %abs3A : vector<128x32x16xf32>
    %exp3A = math.exp %neg3A_64 : vector<128x32x16xf32>
    %add3A_65 = arith.constant 1.000000e+00 : f32
    %add3A_66 = vector.broadcast %add3A_65 : f32 to vector<128x32x16xf32>
    %add3A_67 = arith.addf %add3A_66, %exp3A : vector<128x32x16xf32>
    %log3A = math.log %add3A_67 : vector<128x32x16xf32>
    %add3A_68 = arith.addf %max3A_62, %log3A : vector<128x32x16xf32>
    %convert_element_type3A_69 = arith.truncf %add3A_68 : vector<128x32x16xf32> to vector<128x32x16xbf16>
    %transpose3A_70 = tpu.transpose %convert_element_type3A_69, [1, 2, 0] : vector<128x32x16xbf16> -> vector<32x16x128xbf16>
    %convert_element_type3A_71 = arith.extf %transpose3A_70 : vector<32x16x128xbf16> to vector<32x16x128xf32>
    %swap3A = arith.constant 0 : index
    %swap3A_72 = arith.constant 0 : index
    %swap3A_73 = arith.constant 0 : index
    %swap3A_74 = vector.load %arg20[%swap3A, %swap3A_72, %swap3A_73] : memref<32x16x128xf32, #tpu.memory_space<vmem>>, vector<32x16x128xf32>
    tpu.vector_store %arg20[%swap3A, %swap3A_72, %swap3A_73], %convert_element_type3A_71 {strides = array<i32>} : memref<32x16x128xf32, #tpu.memory_space<vmem>>, vector<32x16x128xf32>,
    %reshape3A_75 = vector.shape_cast %add3A_68 : vector<128x32x16xf32> to vector<4096x16xf32>
    %convert_element_type3A_76 = arith.truncf %reshape3A_75 : vector<4096x16xf32> to vector<4096x16xbf16>
    %get3A_77 = arith.constant 0 : index
    %get3A_78 = arith.constant 0 : index
    %get3A_79 = vector.load %arg9[%get3A_77, %get3A_78] : memref<128x128xbf16, #tpu.memory_space<vmem>>, vector<128x128xbf16>
    %dot_general3A_80 = arith.constant dense<0.000000e+00> : vector<128x128xf32>
    %dot_general3A_81 = tpu.matmul %convert_element_type3A_6, %get3A_79, %dot_general3A_80 {dimension_numbers = #tpu.dot_dimension_numbers<[1], [0], [0], [1], [0, 0, 1, 1], [], []>, transpose_lhs_hint = false} : vector<128x128xbf16>, vector<128x128xbf16>, vector<128x128xf32> -> vector<128x128xf32>
    %get3A_82 = arith.constant 0 : index
    %get3A_83 = arith.constant 0 : index
    %get3A_84 = vector.load %arg13[%get3A_82, %get3A_83] : memref<128x128xbf16, #tpu.memory_space<vmem>>, vector<128x128xbf16>
    %dot_general3A_85 = arith.constant dense<0.000000e+00> : vector<128x128xf32>
    %dot_general3A_86 = tpu.matmul %convert_element_type3A_6, %get3A_84, %dot_general3A_85 {dimension_numbers = #tpu.dot_dimension_numbers<[1], [0], [0], [1], [0, 0, 1, 1], [], []>, transpose_lhs_hint = false} : vector<128x128xbf16>, vector<128x128xbf16>, vector<128x128xf32> -> vector<128x128xf32>
    %get3A_87 = arith.constant 0 : index
    %get3A_88 = arith.constant 0 : index
    %get3A_89 = vector.load %arg10[%get3A_87, %get3A_88] : memref<128x128xbf16, #tpu.memory_space<vmem>>, vector<128x128xbf16>
    %dot_general3A_90 = arith.constant dense<0.000000e+00> : vector<4096x128xf32>
    %dot_general3A_91 = tpu.matmul %convert_element_type3A, %get3A_89, %dot_general3A_90 {dimension_numbers = #tpu.dot_dimension_numbers<[1], [0], [0], [1], [0, 0, 1, 1], [], []>, transpose_lhs_hint = false} : vector<4096x128xbf16>, vector<128x128xbf16>, vector<4096x128xf32> -> vector<4096x128xf32>
    %get3A_92 = arith.constant 0 : index
    %get3A_93 = arith.constant 0 : index
    %get3A_94 = vector.load %arg11[%get3A_92, %get3A_93] : memref<16x128xbf16, #tpu.memory_space<vmem>>, vector<16x128xbf16>
    %dot_general3A_95 = arith.constant dense<0.000000e+00> : vector<4096x128xf32>
    %dot_general3A_96 = tpu.matmul %convert_element_type3A_76, %get3A_94, %dot_general3A_95 {dimension_numbers = #tpu.dot_dimension_numbers<[1], [0], [0], [1], [0, 0, 1, 1], [], []>, transpose_lhs_hint = false} : vector<4096x16xbf16>, vector<16x128xbf16>, vector<4096x128xf32> -> vector<4096x128xf32>
    %add3A_97 = arith.addf %dot_general3A_91, %dot_general3A_96 : vector<4096x128xf32>
    %reshape3A_98 = vector.shape_cast %add3A_97 : vector<4096x128xf32> to vector<128x32x128xf32>
    %broadcast_in_dim3A_99 = vector.shape_cast %dot_general3A_81 : vector<128x128xf32> to vector<128x1x128xf32>
    %add3A_100 = vector.broadcast %broadcast_in_dim3A_99 : vector<128x1x128xf32> to vector<128x32x128xf32>
    %add3A_101 = arith.addf %reshape3A_98, %add3A_100 : vector<128x32x128xf32>
    %get3A_102 = arith.constant 0 : index
    %get3A_103 = arith.constant 0 : index
    %get3A_104 = vector.load %arg12[%get3A_102, %get3A_103] : memref<1x128xf32, #tpu.memory_space<vmem>>, vector<1x128xf32>
    %get3A_105 = vector.shape_cast %get3A_104 : vector<1x128xf32> to vector<128xf32>
    %broadcast_in_dim3A_106 = vector.shape_cast %get3A_105 : vector<128xf32> to vector<1x1x128xf32>
    %add3A_107 = vector.broadcast %broadcast_in_dim3A_106 : vector<1x1x128xf32> to vector<128x32x128xf32>
    %add3A_108 = arith.addf %add3A_101, %add3A_107 : vector<128x32x128xf32>
    %max3A_109 = arith.constant 0.000000e+00 : f32
    %max3A_110 = vector.broadcast %max3A_109 : f32 to vector<128x32x128xf32>
    %max3A_111 = arith.maximumf %add3A_108, %max3A_110 : vector<128x32x128xf32>
    %abs3A_112 = math.absf %add3A_108 : vector<128x32x128xf32>
    %neg3A_113 = arith.constant 0.000000e+00 : f32
    %neg3A_114 = vector.broadcast %neg3A_113 : f32 to vector<128x32x128xf32>
    %neg3A_115 = arith.subf %neg3A_114, %abs3A_112 : vector<128x32x128xf32>
    %exp3A_116 = math.exp %neg3A_115 : vector<128x32x128xf32>
    %add3A_117 = arith.constant 1.000000e+00 : f32
    %add3A_118 = vector.broadcast %add3A_117 : f32 to vector<128x32x128xf32>
    %add3A_119 = arith.addf %add3A_118, %exp3A_116 : vector<128x32x128xf32>
    %log3A_120 = math.log %add3A_119 : vector<128x32x128xf32>
    %add3A_121 = arith.addf %max3A_111, %log3A_120 : vector<128x32x128xf32>
    %reshape3A_122 = vector.shape_cast %add3A_121 : vector<128x32x128xf32> to vector<4096x128xf32>
    %convert_element_type3A_123 = arith.truncf %reshape3A_122 : vector<4096x128xf32> to vector<4096x128xbf16>
    %get3A_124 = arith.constant 0 : index
    %get3A_125 = arith.constant 0 : index
    %get3A_126 = vector.load %arg17[%get3A_124, %get3A_125] : memref<128x8xbf16, #tpu.memory_space<vmem>>, vector<128x8xbf16>
    %dot_general3A_127 = arith.constant dense<0.000000e+00> : vector<4096x8xf32>
    %dot_general3A_128 = tpu.matmul %convert_element_type3A_123, %get3A_126, %dot_general3A_127 {dimension_numbers = #tpu.dot_dimension_numbers<[1], [0], [0], [1], [0, 0, 1, 1], [], []>, transpose_lhs_hint = false} : vector<4096x128xbf16>, vector<128x8xbf16>, vector<4096x8xf32> -> vector<4096x8xf32>
    %get3A_129 = arith.constant 0 : index
    %get3A_130 = arith.constant 0 : index
    %get3A_131 = vector.load %arg18[%get3A_129, %get3A_130] : memref<1x8xf32, #tpu.memory_space<vmem>>, vector<1x8xf32>
    %get3A_132 = vector.shape_cast %get3A_131 : vector<1x8xf32> to vector<8xf32>
    %broadcast_in_dim3A_133 = vector.shape_cast %get3A_132 : vector<8xf32> to vector<1x8xf32>
    %add3A_134 = vector.broadcast %broadcast_in_dim3A_133 : vector<1x8xf32> to vector<4096x8xf32>
    %add3A_135 = arith.addf %dot_general3A_128, %add3A_134 : vector<4096x8xf32>
    %reshape3A_136 = vector.shape_cast %add3A_135 : vector<4096x8xf32> to vector<128x32x8xf32>
    %reduce_max3A = arith.constant dense<0xFF800000> : vector<128x8xf32>
    %reduce_max3A_137 = vector.multi_reduction <maximumf>, %reshape3A_136, %reduce_max3A [1] : vector<128x32x8xf32> to vector<128x8xf32>
    %broadcast_in_dim3A_138 = vector.shape_cast %reduce_max3A_137 : vector<128x8xf32> to vector<128x1x8xf32>
    %sub3A_139 = vector.broadcast %broadcast_in_dim3A_138 : vector<128x1x8xf32> to vector<128x32x8xf32>
    %sub3A_140 = arith.subf %reshape3A_136, %sub3A_139 : vector<128x32x8xf32>
    %exp3A_141 = math.exp %sub3A_140 : vector<128x32x8xf32>
    %reduce_sum3A = arith.constant dense<0.000000e+00> : vector<128x8xf32>
    %reduce_sum3A_142 = vector.multi_reduction <add>, %exp3A_141, %reduce_sum3A [1] : vector<128x32x8xf32> to vector<128x8xf32>
    %broadcast_in_dim3A_143 = vector.shape_cast %reduce_sum3A_142 : vector<128x8xf32> to vector<128x1x8xf32>
    %div3A_144 = vector.broadcast %broadcast_in_dim3A_143 : vector<128x1x8xf32> to vector<128x32x8xf32>
    %div3A_145 = arith.divf %exp3A_141, %div3A_144 : vector<128x32x8xf32>
    %reshape3A_146 = vector.shape_cast %div3A_145 : vector<128x32x8xf32> to vector<4096x8xf32>
    %convert_element_type3A_147 = arith.truncf %reshape3A_146 : vector<4096x8xf32> to vector<4096x8xbf16>
    %get3A_148 = arith.constant 0 : index
    %get3A_149 = arith.constant 0 : index
    %get3A_150 = vector.load %arg19[%get3A_148, %get3A_149] : memref<8x128xbf16, #tpu.memory_space<vmem>>, vector<8x128xbf16>
    %dot_general3A_151 = arith.constant dense<0.000000e+00> : vector<4096x128xf32>
    %dot_general3A_152 = tpu.matmul %convert_element_type3A_147, %get3A_150, %dot_general3A_151 {dimension_numbers = #tpu.dot_dimension_numbers<[1], [0], [0], [1], [0, 0, 1, 1], [], []>, transpose_lhs_hint = false} : vector<4096x8xbf16>, vector<8x128xbf16>, vector<4096x128xf32> -> vector<4096x128xf32>
    %reshape3A_153 = vector.shape_cast %dot_general3A_152 : vector<4096x128xf32> to vector<128x32x128xf32>
    %get3A_154 = arith.constant 0 : index
    %get3A_155 = arith.constant 0 : index
    %get3A_156 = vector.load %arg14[%get3A_154, %get3A_155] : memref<128x128xbf16, #tpu.memory_space<vmem>>, vector<128x128xbf16>
    %dot_general3A_157 = arith.constant dense<0.000000e+00> : vector<4096x128xf32>
    %dot_general3A_158 = tpu.matmul %convert_element_type3A, %get3A_156, %dot_general3A_157 {dimension_numbers = #tpu.dot_dimension_numbers<[1], [0], [0], [1], [0, 0, 1, 1], [], []>, transpose_lhs_hint = false} : vector<4096x128xbf16>, vector<128x128xbf16>, vector<4096x128xf32> -> vector<4096x128xf32>
    %get3A_159 = arith.constant 0 : index
    %get3A_160 = arith.constant 0 : index
    %get3A_161 = vector.load %arg15[%get3A_159, %get3A_160] : memref<16x128xbf16, #tpu.memory_space<vmem>>, vector<16x128xbf16>
    %dot_general3A_162 = arith.constant dense<0.000000e+00> : vector<4096x128xf32>
    %dot_general3A_163 = tpu.matmul %convert_element_type3A_76, %get3A_161, %dot_general3A_162 {dimension_numbers = #tpu.dot_dimension_numbers<[1], [0], [0], [1], [0, 0, 1, 1], [], []>, transpose_lhs_hint = false} : vector<4096x16xbf16>, vector<16x128xbf16>, vector<4096x128xf32> -> vector<4096x128xf32>
    %add3A_164 = arith.addf %dot_general3A_158, %dot_general3A_163 : vector<4096x128xf32>
    %reshape3A_165 = vector.shape_cast %add3A_164 : vector<4096x128xf32> to vector<128x32x128xf32>
    %broadcast_in_dim3A_166 = vector.shape_cast %dot_general3A_86 : vector<128x128xf32> to vector<128x1x128xf32>
    %add3A_167 = vector.broadcast %broadcast_in_dim3A_166 : vector<128x1x128xf32> to vector<128x32x128xf32>
    %add3A_168 = arith.addf %reshape3A_165, %add3A_167 : vector<128x32x128xf32>
    %get3A_169 = arith.constant 0 : index
    %get3A_170 = arith.constant 0 : index
    %get3A_171 = vector.load %arg16[%get3A_169, %get3A_170] : memref<1x128xf32, #tpu.memory_space<vmem>>, vector<1x128xf32>
    %get3A_172 = vector.shape_cast %get3A_171 : vector<1x128xf32> to vector<128xf32>
    %broadcast_in_dim3A_173 = vector.shape_cast %get3A_172 : vector<128xf32> to vector<1x1x128xf32>
    %add3A_174 = vector.broadcast %broadcast_in_dim3A_173 : vector<1x1x128xf32> to vector<128x32x128xf32>
    %add3A_175 = arith.addf %add3A_168, %add3A_174 : vector<128x32x128xf32>
    %iota3A = tpu.iota {dimensions = array<i32: 0>} : vector<128x1x1xi32>
    %mul3A_176 = arith.constant 128 : i32
    %mul3A_177 = arith.muli %arg0, %mul3A_176 : i32
    %add3A_178 = vector.broadcast %mul3A_177 : i32 to vector<128x1x1xi32>
    %add3A_179 = arith.addi %iota3A, %add3A_178 : vector<128x1x1xi32>
    %lt3A = arith.constant 10000 : i32
    %lt3A_180 = vector.broadcast %lt3A : i32 to vector<128x1x1xi32>
    %lt3A_181 = arith.cmpi slt, %add3A_179, %lt3A_180 : vector<128x1x1xi32>
    %mul3A_182 = arith.mulf %reshape3A_153, %add3A_175 : vector<128x32x128xf32>
    %jit3A = arith.constant 0.000000e+00 : f32
    %broadcast_in_dim3A_183 = vector.shape_cast %lt3A_181 : vector<128x1x1xi1> to vector<128x1x1xi1>
    %broadcast_in_dim3A_184 = vector.broadcast %broadcast_in_dim3A_183 : vector<128x1x1xi1> to vector<128x32x128xi1>
    %broadcast_in_dim3A_185 = vector.broadcast %jit3A : f32 to vector<128x32x128xf32>
    %select_n3A = arith.select %broadcast_in_dim3A_184, %mul3A_182, %broadcast_in_dim3A_185 : vector<128x32x128xi1>, vector<128x32x128xf32>
    %convert_element_type3A_186 = arith.truncf %select_n3A : vector<128x32x128xf32> to vector<128x32x128xbf16>
    %swap3A_187 = arith.constant 0 : index
    %swap3A_188 = arith.constant 0 : index
    %swap3A_189 = arith.constant 0 : index
    %swap3A_190 = vector.load %arg21[%swap3A_187, %swap3A_188, %swap3A_189] : memref<128x32x128xbf16, #tpu.memory_space<vmem>>, vector<128x32x128xbf16>
    tpu.vector_store %arg21[%swap3A_187, %swap3A_188, %swap3A_189], %convert_element_type3A_186 {strides = array<i32>} : memref<128x32x128xbf16, #tpu.memory_space<vmem>>, vector<128x32x128xbf16>,
    %reduce_sum3A_191 = arith.constant dense<0.000000e+00> : vector<128xf32>
    %reduce_sum3A_192 = vector.multi_reduction <add>, %select_n3A, %reduce_sum3A_191 [0, 1] : vector<128x32x128xf32> to vector<128xf32>
    %mul3A_193 = arith.mulf %select_n3A, %select_n3A : vector<128x32x128xf32>
    %reduce_sum3A_194 = arith.constant dense<0.000000e+00> : vector<128xf32>
    %reduce_sum3A_195 = vector.multi_reduction <add>, %mul3A_193, %reduce_sum3A_194 [0, 1] : vector<128x32x128xf32> to vector<128xf32>
    %broadcast_in_dim3A_196 = vector.shape_cast %reduce_sum3A_192 : vector<128xf32> to vector<1x128xf32>
    %broadcast_in_dim3A_197 = vector.shape_cast %reduce_sum3A_195 : vector<128xf32> to vector<1x128xf32>
    %concatenate3A = tpu.concatenate %broadcast_in_dim3A_196, %broadcast_in_dim3A_197 in 0 : vector<1x128xf32>, vector<1x128xf32> -> vector<2x128xf32>
    %eq3A = arith.constant 0 : i32
    %eq3A_198 = arith.cmpi eq, %arg0, %eq3A : i32
    %convert_element_type3A_199 = arith.extui %eq3A_198 : i1 to i32
    %cond3A = arith.constant 0 : i32
    %cond3A_200 = arith.cmpi ne, %convert_element_type3A_199, %cond3A : i32
    scf.if %cond3A_200 {
      %broadcast_in_dim3A_208 = arith.constant 0.000000e+00 : f32
      %broadcast_in_dim3A_209 = vector.broadcast %broadcast_in_dim3A_208 : f32 to vector<2x128xf32>
      %swap3A_210 = arith.constant 0 : index
      %swap3A_211 = arith.constant 0 : index
      %swap3A_212 = vector.load %arg22[%swap3A_210, %swap3A_211] : memref<2x128xf32, #tpu.memory_space<vmem>>, vector<2x128xf32>
      tpu.vector_store %arg22[%swap3A_210, %swap3A_211], %broadcast_in_dim3A_209 {strides = array<i32>} : memref<2x128xf32, #tpu.memory_space<vmem>>, vector<2x128xf32>,
    } else {
    }
    %get3A_201 = arith.constant 0 : index
    %get3A_202 = arith.constant 0 : index
    %get3A_203 = vector.load %arg22[%get3A_201, %get3A_202] : memref<2x128xf32, #tpu.memory_space<vmem>>, vector<2x128xf32>
    %add3A_204 = arith.addf %get3A_203, %concatenate3A : vector<2x128xf32>
    %swap3A_205 = arith.constant 0 : index
    %swap3A_206 = arith.constant 0 : index
    %swap3A_207 = vector.load %arg22[%swap3A_205, %swap3A_206] : memref<2x128xf32, #tpu.memory_space<vmem>>, vector<2x128xf32>
    tpu.vector_store %arg22[%swap3A_205, %swap3A_206], %add3A_204 {strides = array<i32>} : memref<2x128xf32, #tpu.memory_space<vmem>>, vector<2x128xf32>,
    return
  }
  func.func @transform_0(%arg0: i32) -> (i32, i32) {
    %c0_i32 = arith.constant 0 : i32
    %c0_i32_0 = arith.constant 0 : i32
    return %arg0, %c0_i32 : i32, i32
  }
  func.func @transform_1(%arg0: i32) -> (i32, i32, i32) {
    %c0_i32 = arith.constant 0 : i32
    %c0_i32_0 = arith.constant 0 : i32
    %c0_i32_1 = arith.constant 0 : i32
    return %arg0, %c0_i32, %c0_i32_0 : i32, i32, i32
  }
  func.func @transform_2(%arg0: i32) -> (i32, i32, i32) {
    %c0_i32 = arith.constant 0 : i32
    %c0_i32_0 = arith.constant 0 : i32
    %c0_i32_1 = arith.constant 0 : i32
    return %c0_i32, %c0_i32_0, %arg0 : i32, i32, i32
  }
  func.func @transform_3(%arg0: i32) -> (i32, i32) {
    %c0_i32 = arith.constant 0 : i32
    %c0_i32_0 = arith.constant 0 : i32
    %c0_i32_1 = arith.constant 0 : i32
    return %c0_i32, %c0_i32_0 : i32, i32
  }
  func.func @transform_4(%arg0: i32) -> (i32, i32) {
    %c0_i32 = arith.constant 0 : i32
    %c0_i32_0 = arith.constant 0 : i32
    %c0_i32_1 = arith.constant 0 : i32
    return %c0_i32, %c0_i32_0 : i32, i32
  }
  func.func @transform_5(%arg0: i32) -> (i32, i32) {
    %c0_i32 = arith.constant 0 : i32
    %c0_i32_0 = arith.constant 0 : i32
    %c0_i32_1 = arith.constant 0 : i32
    return %c0_i32, %c0_i32_0 : i32, i32
  }
  func.func @transform_6(%arg0: i32) -> (i32, i32) {
    %c0_i32 = arith.constant 0 : i32
    %c0_i32_0 = arith.constant 0 : i32
    %c0_i32_1 = arith.constant 0 : i32
    return %c0_i32, %c0_i32_0 : i32, i32
  }
  func.func @transform_7(%arg0: i32) -> (i32, i32) {
    %c0_i32 = arith.constant 0 : i32
    %c0_i32_0 = arith.constant 0 : i32
    %c0_i32_1 = arith.constant 0 : i32
    return %c0_i32, %c0_i32_0 : i32, i32
  }
  func.func @transform_8(%arg0: i32) -> (i32, i32) {
    %c0_i32 = arith.constant 0 : i32
    %c0_i32_0 = arith.constant 0 : i32
    %c0_i32_1 = arith.constant 0 : i32
    return %c0_i32, %c0_i32_0 : i32, i32
  }
  func.func @transform_9(%arg0: i32) -> (i32, i32) {
    %c0_i32 = arith.constant 0 : i32
    %c0_i32_0 = arith.constant 0 : i32
    %c0_i32_1 = arith.constant 0 : i32
    return %c0_i32, %c0_i32_0 : i32, i32
  }
  func.func @transform_10(%arg0: i32) -> (i32, i32) {
    %c0_i32 = arith.constant 0 : i32
    %c0_i32_0 = arith.constant 0 : i32
    %c0_i32_1 = arith.constant 0 : i32
    return %c0_i32, %c0_i32_0 : i32, i32
  }
  func.func @transform_11(%arg0: i32) -> (i32, i32) {
    %c0_i32 = arith.constant 0 : i32
    %c0_i32_0 = arith.constant 0 : i32
    %c0_i32_1 = arith.constant 0 : i32
    return %c0_i32, %c0_i32_0 : i32, i32
  }
  func.func @transform_12(%arg0: i32) -> (i32, i32) {
    %c0_i32 = arith.constant 0 : i32
    %c0_i32_0 = arith.constant 0 : i32
    %c0_i32_1 = arith.constant 0 : i32
    return %c0_i32, %c0_i32_0 : i32, i32
  }
  func.func @transform_13(%arg0: i32) -> (i32, i32) {
    %c0_i32 = arith.constant 0 : i32
    %c0_i32_0 = arith.constant 0 : i32
    %c0_i32_1 = arith.constant 0 : i32
    return %c0_i32, %c0_i32_0 : i32, i32
  }
  func.func @transform_14(%arg0: i32) -> (i32, i32) {
    %c0_i32 = arith.constant 0 : i32
    %c0_i32_0 = arith.constant 0 : i32
    %c0_i32_1 = arith.constant 0 : i32
    return %c0_i32, %c0_i32_0 : i32, i32
  }
  func.func @transform_15(%arg0: i32) -> (i32, i32) {
    %c0_i32 = arith.constant 0 : i32
    %c0_i32_0 = arith.constant 0 : i32
    %c0_i32_1 = arith.constant 0 : i32
    return %c0_i32, %c0_i32_0 : i32, i32
  }
  func.func @transform_16(%arg0: i32) -> (i32, i32) {
    %c0_i32 = arith.constant 0 : i32
    %c0_i32_0 = arith.constant 0 : i32
    %c0_i32_1 = arith.constant 0 : i32
    return %c0_i32, %c0_i32_0 : i32, i32
  }
  func.func @transform_17(%arg0: i32) -> (i32, i32) {
    %c0_i32 = arith.constant 0 : i32
    %c0_i32_0 = arith.constant 0 : i32
    %c0_i32_1 = arith.constant 0 : i32
    return %c0_i32, %c0_i32_0 : i32, i32
  }
  func.func @transform_18(%arg0: i32) -> (i32, i32) {
    %c0_i32 = arith.constant 0 : i32
    %c0_i32_0 = arith.constant 0 : i32
    %c0_i32_1 = arith.constant 0 : i32
    return %c0_i32, %c0_i32_0 : i32, i32
  }
  func.func @transform_19(%arg0: i32) -> (i32, i32, i32) {
    %c0_i32 = arith.constant 0 : i32
    %c0_i32_0 = arith.constant 0 : i32
    %c0_i32_1 = arith.constant 0 : i32
    return %c0_i32, %c0_i32_0, %arg0 : i32, i32, i32
  }
  func.func @transform_20(%arg0: i32) -> (i32, i32, i32) {
    %c0_i32 = arith.constant 0 : i32
    %c0_i32_0 = arith.constant 0 : i32
    %c0_i32_1 = arith.constant 0 : i32
    return %arg0, %c0_i32, %c0_i32_0 : i32, i32, i32
  }
  func.func @transform_21(%arg0: i32) -> (i32, i32) {
    %c0_i32 = arith.constant 0 : i32
    %c0_i32_0 = arith.constant 0 : i32
    %c0_i32_1 = arith.constant 0 : i32
    return %c0_i32, %c0_i32_0 : i32, i32
  }
}

module attributes {stable_mosaic.version = 14 : i64} {
  func.func @_t1_body(%arg0: i32, %arg1: memref<128x128xf32, #tpu.memory_space<vmem>>, %arg2: memref<128x32x128xf32, #tpu.memory_space<vmem>>, %arg3: memref<32x16x128xf32, #tpu.memory_space<vmem>>, %arg4: memref<128x16xbf16, #tpu.memory_space<vmem>>, %arg5: memref<128x16xbf16, #tpu.memory_space<vmem>>, %arg6: memref<16x16xbf16, #tpu.memory_space<vmem>>, %arg7: memref<1x16xf32, #tpu.memory_space<vmem>>, %arg8: memref<2x16xf32, #tpu.memory_space<vmem>>) attributes {dimension_semantics = [#tpu.dimension_semantics<arbitrary>], iteration_bounds = array<i64: 79>, scalar_prefetch = 0 : i64, scratch_operands = 0 : i64, tpu.core_type = #tpu.core_type<tc>, window_params = [{transform_indices = @transform_0, window_bounds = array<i64: 128, 128>}, {transform_indices = @transform_1, window_bounds = array<i64: 128, 32, 128>}, {transform_indices = @transform_2, window_bounds = array<i64: 32, 16, 128>}, {pipeline_mode = #tpu.pipeline_mode<synchronous>, transform_indices = @transform_3, window_bounds = array<i64: 128, 16>}, {pipeline_mode = #tpu.pipeline_mode<synchronous>, transform_indices = @transform_4, window_bounds = array<i64: 128, 16>}, {pipeline_mode = #tpu.pipeline_mode<synchronous>, transform_indices = @transform_5, window_bounds = array<i64: 16, 16>}, {pipeline_mode = #tpu.pipeline_mode<synchronous>, transform_indices = @transform_6, window_bounds = array<i64: 1, 16>}, {pipeline_mode = #tpu.pipeline_mode<synchronous>, transform_indices = @transform_7, window_bounds = array<i64: 2, 16>}]} {
    %get3A = arith.constant 0 : index
    %get3A_0 = arith.constant 0 : index
    %get3A_1 = arith.constant 0 : index
    %get3A_2 = vector.load %arg2[%get3A, %get3A_0, %get3A_1] : memref<128x32x128xf32, #tpu.memory_space<vmem>>, vector<128x32x128xf32>
    %reshape3A = vector.shape_cast %get3A_2 : vector<128x32x128xf32> to vector<4096x128xf32>
    %convert_element_type3A = arith.truncf %reshape3A : vector<4096x128xf32> to vector<4096x128xbf16>
    %get3A_3 = arith.constant 0 : index
    %get3A_4 = arith.constant 0 : index
    %get3A_5 = arith.constant 0 : index
    %get3A_6 = vector.load %arg3[%get3A_3, %get3A_4, %get3A_5] : memref<32x16x128xf32, #tpu.memory_space<vmem>>, vector<32x16x128xf32>
    %convert_element_type3A_7 = arith.truncf %get3A_6 : vector<32x16x128xf32> to vector<32x16x128xbf16>
    %transpose3A = tpu.transpose %convert_element_type3A_7, [2, 0, 1] : vector<32x16x128xbf16> -> vector<128x32x16xbf16>
    %reshape3A_8 = vector.shape_cast %transpose3A : vector<128x32x16xbf16> to vector<4096x16xbf16>
    %get3A_9 = arith.constant 0 : index
    %get3A_10 = arith.constant 0 : index
    %get3A_11 = vector.load %arg1[%get3A_9, %get3A_10] : memref<128x128xf32, #tpu.memory_space<vmem>>, vector<128x128xf32>
    %convert_element_type3A_12 = arith.truncf %get3A_11 : vector<128x128xf32> to vector<128x128xbf16>
    %get3A_13 = arith.constant 0 : index
    %get3A_14 = arith.constant 0 : index
    %get3A_15 = vector.load %arg4[%get3A_13, %get3A_14] : memref<128x16xbf16, #tpu.memory_space<vmem>>, vector<128x16xbf16>
    %dot_general3A = arith.constant dense<0.000000e+00> : vector<128x16xf32>
    %dot_general3A_16 = tpu.matmul %convert_element_type3A_12, %get3A_15, %dot_general3A {dimension_numbers = #tpu.dot_dimension_numbers<[1], [0], [0], [1], [0, 0, 1, 1], [], []>, transpose_lhs_hint = false} : vector<128x128xbf16>, vector<128x16xbf16>, vector<128x16xf32> -> vector<128x16xf32>
    %get3A_17 = arith.constant 0 : index
    %get3A_18 = arith.constant 0 : index
    %get3A_19 = vector.load %arg5[%get3A_17, %get3A_18] : memref<128x16xbf16, #tpu.memory_space<vmem>>, vector<128x16xbf16>
    %dot_general3A_20 = arith.constant dense<0.000000e+00> : vector<4096x16xf32>
    %dot_general3A_21 = tpu.matmul %convert_element_type3A, %get3A_19, %dot_general3A_20 {dimension_numbers = #tpu.dot_dimension_numbers<[1], [0], [0], [1], [0, 0, 1, 1], [], []>, transpose_lhs_hint = false} : vector<4096x128xbf16>, vector<128x16xbf16>, vector<4096x16xf32> -> vector<4096x16xf32>
    %get3A_22 = arith.constant 0 : index
    %get3A_23 = arith.constant 0 : index
    %get3A_24 = vector.load %arg6[%get3A_22, %get3A_23] : memref<16x16xbf16, #tpu.memory_space<vmem>>, vector<16x16xbf16>
    %dot_general3A_25 = arith.constant dense<0.000000e+00> : vector<4096x16xf32>
    %dot_general3A_26 = tpu.matmul %reshape3A_8, %get3A_24, %dot_general3A_25 {dimension_numbers = #tpu.dot_dimension_numbers<[1], [0], [0], [1], [0, 0, 1, 1], [], []>, transpose_lhs_hint = false} : vector<4096x16xbf16>, vector<16x16xbf16>, vector<4096x16xf32> -> vector<4096x16xf32>
    %broadcast_in_dim3A = vector.shape_cast %dot_general3A_16 : vector<128x16xf32> to vector<128x1x16xf32>
    %add3A = arith.addf %dot_general3A_21, %dot_general3A_26 : vector<4096x16xf32>
    %reshape3A_27 = vector.shape_cast %add3A : vector<4096x16xf32> to vector<128x32x16xf32>
    %add3A_28 = vector.broadcast %broadcast_in_dim3A : vector<128x1x16xf32> to vector<128x32x16xf32>
    %add3A_29 = arith.addf %add3A_28, %reshape3A_27 : vector<128x32x16xf32>
    %get3A_30 = arith.constant 0 : index
    %get3A_31 = arith.constant 0 : index
    %get3A_32 = vector.load %arg7[%get3A_30, %get3A_31] : memref<1x16xf32, #tpu.memory_space<vmem>>, vector<1x16xf32>
    %get3A_33 = vector.shape_cast %get3A_32 : vector<1x16xf32> to vector<16xf32>
    %broadcast_in_dim3A_34 = vector.shape_cast %get3A_33 : vector<16xf32> to vector<1x1x16xf32>
    %add3A_35 = vector.broadcast %broadcast_in_dim3A_34 : vector<1x1x16xf32> to vector<128x32x16xf32>
    %add3A_36 = arith.addf %add3A_29, %add3A_35 : vector<128x32x16xf32>
    %iota3A = tpu.iota {dimensions = array<i32: 0>} : vector<128x1x1xi32>
    %mul3A = arith.constant 128 : i32
    %mul3A_37 = arith.muli %arg0, %mul3A : i32
    %add3A_38 = vector.broadcast %mul3A_37 : i32 to vector<128x1x1xi32>
    %add3A_39 = arith.addi %iota3A, %add3A_38 : vector<128x1x1xi32>
    %lt3A = arith.constant 10000 : i32
    %lt3A_40 = vector.broadcast %lt3A : i32 to vector<128x1x1xi32>
    %lt3A_41 = arith.cmpi slt, %add3A_39, %lt3A_40 : vector<128x1x1xi32>
    %jit3A = arith.constant 0.000000e+00 : f32
    %broadcast_in_dim3A_42 = vector.shape_cast %lt3A_41 : vector<128x1x1xi1> to vector<128x1x1xi1>
    %broadcast_in_dim3A_43 = vector.broadcast %broadcast_in_dim3A_42 : vector<128x1x1xi1> to vector<128x32x16xi1>
    %broadcast_in_dim3A_44 = vector.broadcast %jit3A : f32 to vector<128x32x16xf32>
    %select_n3A = arith.select %broadcast_in_dim3A_43, %add3A_36, %broadcast_in_dim3A_44 : vector<128x32x16xi1>, vector<128x32x16xf32>
    %reduce_sum3A = arith.constant dense<0.000000e+00> : vector<16xf32>
    %reduce_sum3A_45 = vector.multi_reduction <add>, %select_n3A, %reduce_sum3A [0, 1] : vector<128x32x16xf32> to vector<16xf32>
    %mul3A_46 = arith.mulf %select_n3A, %select_n3A : vector<128x32x16xf32>
    %reduce_sum3A_47 = arith.constant dense<0.000000e+00> : vector<16xf32>
    %reduce_sum3A_48 = vector.multi_reduction <add>, %mul3A_46, %reduce_sum3A_47 [0, 1] : vector<128x32x16xf32> to vector<16xf32>
    %broadcast_in_dim3A_49 = vector.shape_cast %reduce_sum3A_45 : vector<16xf32> to vector<1x16xf32>
    %broadcast_in_dim3A_50 = vector.shape_cast %reduce_sum3A_48 : vector<16xf32> to vector<1x16xf32>
    %concatenate3A = tpu.concatenate %broadcast_in_dim3A_49, %broadcast_in_dim3A_50 in 0 : vector<1x16xf32>, vector<1x16xf32> -> vector<2x16xf32>
    %eq3A = arith.constant 0 : i32
    %eq3A_51 = arith.cmpi eq, %arg0, %eq3A : i32
    %convert_element_type3A_52 = arith.extui %eq3A_51 : i1 to i32
    %cond3A = arith.constant 0 : i32
    %cond3A_53 = arith.cmpi ne, %convert_element_type3A_52, %cond3A : i32
    scf.if %cond3A_53 {
      %broadcast_in_dim3A_60 = arith.constant 0.000000e+00 : f32
      %broadcast_in_dim3A_61 = vector.broadcast %broadcast_in_dim3A_60 : f32 to vector<2x16xf32>
      %swap3A_62 = arith.constant 0 : index
      %swap3A_63 = arith.constant 0 : index
      %swap3A_64 = vector.load %arg8[%swap3A_62, %swap3A_63] : memref<2x16xf32, #tpu.memory_space<vmem>>, vector<2x16xf32>
      tpu.vector_store %arg8[%swap3A_62, %swap3A_63], %broadcast_in_dim3A_61 {strides = array<i32>} : memref<2x16xf32, #tpu.memory_space<vmem>>, vector<2x16xf32>,
    } else {
    }
    %get3A_54 = arith.constant 0 : index
    %get3A_55 = arith.constant 0 : index
    %get3A_56 = vector.load %arg8[%get3A_54, %get3A_55] : memref<2x16xf32, #tpu.memory_space<vmem>>, vector<2x16xf32>
    %add3A_57 = arith.addf %get3A_56, %concatenate3A : vector<2x16xf32>
    %swap3A = arith.constant 0 : index
    %swap3A_58 = arith.constant 0 : index
    %swap3A_59 = vector.load %arg8[%swap3A, %swap3A_58] : memref<2x16xf32, #tpu.memory_space<vmem>>, vector<2x16xf32>
    tpu.vector_store %arg8[%swap3A, %swap3A_58], %add3A_57 {strides = array<i32>} : memref<2x16xf32, #tpu.memory_space<vmem>>, vector<2x16xf32>,
    return
  }
  func.func @transform_0(%arg0: i32) -> (i32, i32) {
    %c0_i32 = arith.constant 0 : i32
    %c0_i32_0 = arith.constant 0 : i32
    return %arg0, %c0_i32 : i32, i32
  }
  func.func @transform_1(%arg0: i32) -> (i32, i32, i32) {
    %c0_i32 = arith.constant 0 : i32
    %c0_i32_0 = arith.constant 0 : i32
    %c0_i32_1 = arith.constant 0 : i32
    return %arg0, %c0_i32, %c0_i32_0 : i32, i32, i32
  }
  func.func @transform_2(%arg0: i32) -> (i32, i32, i32) {
    %c0_i32 = arith.constant 0 : i32
    %c0_i32_0 = arith.constant 0 : i32
    %c0_i32_1 = arith.constant 0 : i32
    return %c0_i32, %c0_i32_0, %arg0 : i32, i32, i32
  }
  func.func @transform_3(%arg0: i32) -> (i32, i32) {
    %c0_i32 = arith.constant 0 : i32
    %c0_i32_0 = arith.constant 0 : i32
    %c0_i32_1 = arith.constant 0 : i32
    return %c0_i32, %c0_i32_0 : i32, i32
  }
  func.func @transform_4(%arg0: i32) -> (i32, i32) {
    %c0_i32 = arith.constant 0 : i32
    %c0_i32_0 = arith.constant 0 : i32
    %c0_i32_1 = arith.constant 0 : i32
    return %c0_i32, %c0_i32_0 : i32, i32
  }
  func.func @transform_5(%arg0: i32) -> (i32, i32) {
    %c0_i32 = arith.constant 0 : i32
    %c0_i32_0 = arith.constant 0 : i32
    %c0_i32_1 = arith.constant 0 : i32
    return %c0_i32, %c0_i32_0 : i32, i32
  }
  func.func @transform_6(%arg0: i32) -> (i32, i32) {
    %c0_i32 = arith.constant 0 : i32
    %c0_i32_0 = arith.constant 0 : i32
    %c0_i32_1 = arith.constant 0 : i32
    return %c0_i32, %c0_i32_0 : i32, i32
  }
  func.func @transform_7(%arg0: i32) -> (i32, i32) {
    %c0_i32 = arith.constant 0 : i32
    %c0_i32_0 = arith.constant 0 : i32
    %c0_i32_1 = arith.constant 0 : i32
    return %c0_i32, %c0_i32_0 : i32, i32
  }
}

module attributes {stable_mosaic.version = 14 : i64} {
  func.func @_t4_body(%arg0: i32, %arg1: memref<200x32x128xbf16, #tpu.memory_space<vmem>>, %arg2: memref<2x128xf32, #tpu.memory_space<vmem>>, %arg3: memref<200x128xf32, #tpu.memory_space<vmem>>, %arg4: memref<2x128xf32, #tpu.memory_space<vmem>>) attributes {dimension_semantics = [#tpu.dimension_semantics<arbitrary>], iteration_bounds = array<i64: 50>, scalar_prefetch = 0 : i64, scratch_operands = 0 : i64, tpu.core_type = #tpu.core_type<tc>, window_params = [{transform_indices = @transform_0, window_bounds = array<i64: 200, 32, 128>}, {pipeline_mode = #tpu.pipeline_mode<synchronous>, transform_indices = @transform_1, window_bounds = array<i64: 2, 128>}, {transform_indices = @transform_2, window_bounds = array<i64: 200, 128>}, {pipeline_mode = #tpu.pipeline_mode<synchronous>, transform_indices = @transform_3, window_bounds = array<i64: 2, 128>}]} {
    %get3A = arith.constant 0 : index
    %get3A_0 = arith.constant 0 : index
    %get3A_1 = vector.load %arg2[%get3A, %get3A_0] : memref<2x128xf32, #tpu.memory_space<vmem>>, vector<1x128xf32>
    %get3A_2 = vector.shape_cast %get3A_1 : vector<1x128xf32> to vector<128xf32>
    %div3A = arith.constant 3.200000e+05 : f32
    %div3A_3 = vector.broadcast %div3A : f32 to vector<128xf32>
    %div3A_4 = arith.divf %get3A_2, %div3A_3 : vector<128xf32>
    %get3A_5 = arith.constant 1 : index
    %get3A_6 = arith.constant 0 : index
    %get3A_7 = vector.load %arg2[%get3A_5, %get3A_6] : memref<2x128xf32, #tpu.memory_space<vmem>>, vector<1x128xf32>
    %get3A_8 = vector.shape_cast %get3A_7 : vector<1x128xf32> to vector<128xf32>
    %div3A_9 = arith.constant 3.200000e+05 : f32
    %div3A_10 = vector.broadcast %div3A_9 : f32 to vector<128xf32>
    %div3A_11 = arith.divf %get3A_8, %div3A_10 : vector<128xf32>
    %mul3A = arith.mulf %div3A_4, %div3A_4 : vector<128xf32>
    %sub3A = arith.subf %div3A_11, %mul3A : vector<128xf32>
    %add3A = arith.constant 9.99999974E-6 : f32
    %add3A_12 = vector.broadcast %add3A : f32 to vector<128xf32>
    %add3A_13 = arith.addf %sub3A, %add3A_12 : vector<128xf32>
    %rsqrt3A = math.rsqrt %add3A_13 : vector<128xf32>
    %get3A_14 = arith.constant 0 : index
    %get3A_15 = arith.constant 0 : index
    %get3A_16 = arith.constant 0 : index
    %get3A_17 = vector.load %arg1[%get3A_14, %get3A_15, %get3A_16] : memref<200x32x128xbf16, #tpu.memory_space<vmem>>, vector<200x32x128xbf16>
    %convert_element_type3A = arith.extf %get3A_17 : vector<200x32x128xbf16> to vector<200x32x128xf32>
    %broadcast_in_dim3A = vector.shape_cast %div3A_4 : vector<128xf32> to vector<1x1x128xf32>
    %sub3A_18 = vector.broadcast %broadcast_in_dim3A : vector<1x1x128xf32> to vector<200x32x128xf32>
    %sub3A_19 = arith.subf %convert_element_type3A, %sub3A_18 : vector<200x32x128xf32>
    %broadcast_in_dim3A_20 = vector.shape_cast %rsqrt3A : vector<128xf32> to vector<1x1x128xf32>
    %mul3A_21 = vector.broadcast %broadcast_in_dim3A_20 : vector<1x1x128xf32> to vector<200x32x128xf32>
    %mul3A_22 = arith.mulf %sub3A_19, %mul3A_21 : vector<200x32x128xf32>
    %max3A = arith.constant 0.000000e+00 : f32
    %max3A_23 = vector.broadcast %max3A : f32 to vector<200x32x128xf32>
    %max3A_24 = arith.maximumf %mul3A_22, %max3A_23 : vector<200x32x128xf32>
    %abs3A = math.absf %mul3A_22 : vector<200x32x128xf32>
    %neg3A = arith.constant 0.000000e+00 : f32
    %neg3A_25 = vector.broadcast %neg3A : f32 to vector<200x32x128xf32>
    %neg3A_26 = arith.subf %neg3A_25, %abs3A : vector<200x32x128xf32>
    %exp3A = math.exp %neg3A_26 : vector<200x32x128xf32>
    %add3A_27 = arith.constant 1.000000e+00 : f32
    %add3A_28 = vector.broadcast %add3A_27 : f32 to vector<200x32x128xf32>
    %add3A_29 = arith.addf %add3A_28, %exp3A : vector<200x32x128xf32>
    %log3A = math.log %add3A_29 : vector<200x32x128xf32>
    %add3A_30 = arith.addf %max3A_24, %log3A : vector<200x32x128xf32>
    %reduce_sum3A = arith.constant dense<0.000000e+00> : vector<200x128xf32>
    %reduce_sum3A_31 = vector.multi_reduction <add>, %add3A_30, %reduce_sum3A [1] : vector<200x32x128xf32> to vector<200x128xf32>
    %swap3A = arith.constant 0 : index
    %swap3A_32 = arith.constant 0 : index
    %swap3A_33 = vector.load %arg3[%swap3A, %swap3A_32] : memref<200x128xf32, #tpu.memory_space<vmem>>, vector<200x128xf32>
    tpu.vector_store %arg3[%swap3A, %swap3A_32], %reduce_sum3A_31 {strides = array<i32>} : memref<200x128xf32, #tpu.memory_space<vmem>>, vector<200x128xf32>,
    %reduce_sum3A_34 = arith.constant dense<0.000000e+00> : vector<128xf32>
    %reduce_sum3A_35 = vector.multi_reduction <add>, %reduce_sum3A_31, %reduce_sum3A_34 [0] : vector<200x128xf32> to vector<128xf32>
    %mul3A_36 = arith.mulf %reduce_sum3A_31, %reduce_sum3A_31 : vector<200x128xf32>
    %reduce_sum3A_37 = arith.constant dense<0.000000e+00> : vector<128xf32>
    %reduce_sum3A_38 = vector.multi_reduction <add>, %mul3A_36, %reduce_sum3A_37 [0] : vector<200x128xf32> to vector<128xf32>
    %broadcast_in_dim3A_39 = vector.shape_cast %reduce_sum3A_35 : vector<128xf32> to vector<1x128xf32>
    %broadcast_in_dim3A_40 = vector.shape_cast %reduce_sum3A_38 : vector<128xf32> to vector<1x128xf32>
    %concatenate3A = tpu.concatenate %broadcast_in_dim3A_39, %broadcast_in_dim3A_40 in 0 : vector<1x128xf32>, vector<1x128xf32> -> vector<2x128xf32>
    %eq3A = arith.constant 0 : i32
    %eq3A_41 = arith.cmpi eq, %arg0, %eq3A : i32
    %convert_element_type3A_42 = arith.extui %eq3A_41 : i1 to i32
    %cond3A = arith.constant 0 : i32
    %cond3A_43 = arith.cmpi ne, %convert_element_type3A_42, %cond3A : i32
    scf.if %cond3A_43 {
      %broadcast_in_dim3A_51 = arith.constant 0.000000e+00 : f32
      %broadcast_in_dim3A_52 = vector.broadcast %broadcast_in_dim3A_51 : f32 to vector<2x128xf32>
      %swap3A_53 = arith.constant 0 : index
      %swap3A_54 = arith.constant 0 : index
      %swap3A_55 = vector.load %arg4[%swap3A_53, %swap3A_54] : memref<2x128xf32, #tpu.memory_space<vmem>>, vector<2x128xf32>
      tpu.vector_store %arg4[%swap3A_53, %swap3A_54], %broadcast_in_dim3A_52 {strides = array<i32>} : memref<2x128xf32, #tpu.memory_space<vmem>>, vector<2x128xf32>,
    } else {
    }
    %get3A_44 = arith.constant 0 : index
    %get3A_45 = arith.constant 0 : index
    %get3A_46 = vector.load %arg4[%get3A_44, %get3A_45] : memref<2x128xf32, #tpu.memory_space<vmem>>, vector<2x128xf32>
    %add3A_47 = arith.addf %get3A_46, %concatenate3A : vector<2x128xf32>
    %swap3A_48 = arith.constant 0 : index
    %swap3A_49 = arith.constant 0 : index
    %swap3A_50 = vector.load %arg4[%swap3A_48, %swap3A_49] : memref<2x128xf32, #tpu.memory_space<vmem>>, vector<2x128xf32>
    tpu.vector_store %arg4[%swap3A_48, %swap3A_49], %add3A_47 {strides = array<i32>} : memref<2x128xf32, #tpu.memory_space<vmem>>, vector<2x128xf32>,
    return
  }
  func.func @transform_0(%arg0: i32) -> (i32, i32, i32) {
    %c0_i32 = arith.constant 0 : i32
    %c0_i32_0 = arith.constant 0 : i32
    %c0_i32_1 = arith.constant 0 : i32
    return %arg0, %c0_i32, %c0_i32_0 : i32, i32, i32
  }
  func.func @transform_1(%arg0: i32) -> (i32, i32) {
    %c0_i32 = arith.constant 0 : i32
    %c0_i32_0 = arith.constant 0 : i32
    %c0_i32_1 = arith.constant 0 : i32
    return %c0_i32, %c0_i32_0 : i32, i32
  }
  func.func @transform_2(%arg0: i32) -> (i32, i32) {
    %c0_i32 = arith.constant 0 : i32
    %c0_i32_0 = arith.constant 0 : i32
    return %arg0, %c0_i32 : i32, i32
  }
  func.func @transform_3(%arg0: i32) -> (i32, i32) {
    %c0_i32 = arith.constant 0 : i32
    %c0_i32_0 = arith.constant 0 : i32
    %c0_i32_1 = arith.constant 0 : i32
    return %c0_i32, %c0_i32_0 : i32, i32
  }
}

module attributes {stable_mosaic.version = 14 : i64} {
  func.func @_t5_body(%arg0: i32, %arg1: memref<1000x128xf32, #tpu.memory_space<vmem>>, %arg2: memref<1000x128xf32, #tpu.memory_space<vmem>>, %arg3: memref<2x128xf32, #tpu.memory_space<vmem>>, %arg4: memref<1000x128xf32, #tpu.memory_space<vmem>>) attributes {dimension_semantics = [#tpu.dimension_semantics<arbitrary>], iteration_bounds = array<i64: 10>, scalar_prefetch = 0 : i64, scratch_operands = 0 : i64, tpu.core_type = #tpu.core_type<tc>, window_params = [{transform_indices = @transform_0, window_bounds = array<i64: 1000, 128>}, {transform_indices = @transform_1, window_bounds = array<i64: 1000, 128>}, {pipeline_mode = #tpu.pipeline_mode<synchronous>, transform_indices = @transform_2, window_bounds = array<i64: 2, 128>}, {transform_indices = @transform_3, window_bounds = array<i64: 1000, 128>}]} {
    %get3A = arith.constant 0 : index
    %get3A_0 = arith.constant 0 : index
    %get3A_1 = vector.load %arg3[%get3A, %get3A_0] : memref<2x128xf32, #tpu.memory_space<vmem>>, vector<1x128xf32>
    %get3A_2 = vector.shape_cast %get3A_1 : vector<1x128xf32> to vector<128xf32>
    %div3A = arith.constant 1.000000e+04 : f32
    %div3A_3 = vector.broadcast %div3A : f32 to vector<128xf32>
    %div3A_4 = arith.divf %get3A_2, %div3A_3 : vector<128xf32>
    %get3A_5 = arith.constant 1 : index
    %get3A_6 = arith.constant 0 : index
    %get3A_7 = vector.load %arg3[%get3A_5, %get3A_6] : memref<2x128xf32, #tpu.memory_space<vmem>>, vector<1x128xf32>
    %get3A_8 = vector.shape_cast %get3A_7 : vector<1x128xf32> to vector<128xf32>
    %div3A_9 = arith.constant 1.000000e+04 : f32
    %div3A_10 = vector.broadcast %div3A_9 : f32 to vector<128xf32>
    %div3A_11 = arith.divf %get3A_8, %div3A_10 : vector<128xf32>
    %mul3A = arith.mulf %div3A_4, %div3A_4 : vector<128xf32>
    %sub3A = arith.subf %div3A_11, %mul3A : vector<128xf32>
    %add3A = arith.constant 9.99999974E-6 : f32
    %add3A_12 = vector.broadcast %add3A : f32 to vector<128xf32>
    %add3A_13 = arith.addf %sub3A, %add3A_12 : vector<128xf32>
    %rsqrt3A = math.rsqrt %add3A_13 : vector<128xf32>
    %get3A_14 = arith.constant 0 : index
    %get3A_15 = arith.constant 0 : index
    %get3A_16 = vector.load %arg1[%get3A_14, %get3A_15] : memref<1000x128xf32, #tpu.memory_space<vmem>>, vector<1000x128xf32>
    %get3A_17 = arith.constant 0 : index
    %get3A_18 = arith.constant 0 : index
    %get3A_19 = vector.load %arg2[%get3A_17, %get3A_18] : memref<1000x128xf32, #tpu.memory_space<vmem>>, vector<1000x128xf32>
    %broadcast_in_dim3A = vector.shape_cast %div3A_4 : vector<128xf32> to vector<1x128xf32>
    %sub3A_20 = vector.broadcast %broadcast_in_dim3A : vector<1x128xf32> to vector<1000x128xf32>
    %sub3A_21 = arith.subf %get3A_19, %sub3A_20 : vector<1000x128xf32>
    %broadcast_in_dim3A_22 = vector.shape_cast %rsqrt3A : vector<128xf32> to vector<1x128xf32>
    %mul3A_23 = vector.broadcast %broadcast_in_dim3A_22 : vector<1x128xf32> to vector<1000x128xf32>
    %mul3A_24 = arith.mulf %sub3A_21, %mul3A_23 : vector<1000x128xf32>
    %add3A_25 = arith.addf %get3A_16, %mul3A_24 : vector<1000x128xf32>
    %swap3A = arith.constant 0 : index
    %swap3A_26 = arith.constant 0 : index
    %swap3A_27 = vector.load %arg4[%swap3A, %swap3A_26] : memref<1000x128xf32, #tpu.memory_space<vmem>>, vector<1000x128xf32>
    tpu.vector_store %arg4[%swap3A, %swap3A_26], %add3A_25 {strides = array<i32>} : memref<1000x128xf32, #tpu.memory_space<vmem>>, vector<1000x128xf32>,
    return
  }
  func.func @transform_0(%arg0: i32) -> (i32, i32) {
    %c0_i32 = arith.constant 0 : i32
    %c0_i32_0 = arith.constant 0 : i32
    return %arg0, %c0_i32 : i32, i32
  }
  func.func @transform_1(%arg0: i32) -> (i32, i32) {
    %c0_i32 = arith.constant 0 : i32
    %c0_i32_0 = arith.constant 0 : i32
    return %arg0, %c0_i32 : i32, i32
  }
  func.func @transform_2(%arg0: i32) -> (i32, i32) {
    %c0_i32 = arith.constant 0 : i32
    %c0_i32_0 = arith.constant 0 : i32
    %c0_i32_1 = arith.constant 0 : i32
    return %c0_i32, %c0_i32_0 : i32, i32
  }
  func.func @transform_3(%arg0: i32) -> (i32, i32) {
    %c0_i32 = arith.constant 0 : i32
    %c0_i32_0 = arith.constant 0 : i32
    return %arg0, %c0_i32 : i32, i32
  }
}

</mosaic_0001>

<sc_bundles>
// kernel: kernel.7.cloned.1.call-start
scs
__scs_entry_jumppad:
0x0: {  	(pc) =	sbr.rel $0x88, $3  }
0x1: {  	(tag) =	ssettag $0x0;
	lr =	simm.s32 $0x1  }
0x2: {  	[smem:$0x3F94] =	sst lr;
	_ =	strace $0xD0000000  }
0x3: {  	_ = 	snop  }
0x4: {  	_ = 	snop  }
0x5: {  	_ = 	snop  }
0x6: {  	_ = 	snop  }
0x7: {  	_ = 	snop  }
__scs_overlays_trampoline_lowered:
0x8: {  	[smem:$0x3FA3] =	sst s0  }
0x9: {  	[smem:$0x3FA4] =	sst s1  }
0xa: {  	[smem:$0x3FA5] =	sst s2  }
0xb: {  	[smem:$0x3FA6] =	sst s3  }
0xc: {  	[smem:$0x3FA7] =	sst s4  }
0xd: {  	[smem:$0x3FA8] =	sst s5  }
0xe: {  	[smem:$0x3FA9] =	sst s6  }
0xf: {  	[smem:$0x3FAA] =	sst s7  }
0x10: {  	[smem:$0x3FAB] =	sst s8  }
0x11: {  	[smem:$0x3FAC] =	sst s9;
	s0 =	simm.s32 @!p0 $0x0  }
0x12: {  	s1 =	sld [smem:$0x3F92];
	s0 =	simm.s32 @p0 $0x1  }
0x13: {  	[smem:$0x3FAD] =	sst s0;
	s0 =	simm.s32 @!p1 $0x0  }
0x14: {  	s2 =	sld [smem:$0x3F91];
	s0 =	simm.s32 @p1 $0x1  }
0x15: {  	[smem:$0x3FAE] =	sst s0;
	s0 =	simm.s32 @!p2 $0x0  }
0x16: {  	s3 =	sld [smem:$0x3FDB];
	s0 =	simm.s32 @p2 $0x1  }
0x17: {  	s4 =	simm.s32 $0x1BF5;
	[smem:$0x3FB0] =	sst s0  }
0x18: {  	s0 =	sld [smem:$0x3F93];
	_ =	swait.ge [sflag:s4], $0x0  }
0x19: {  	s7 =	sld [smem:$0x3F94]  }
0x1a: {  	s8 =	sadd.s32 $0xFFFFE003, lr  }
0x1b: {  	s9 =	sadd.s32 $0xFFFFFEF7, lr;
	s5 =	simm.s32 $0xFFFFFFFF;
	p2 =	slt.u32 s8, $0xFFFFF086  }
0x1c: {  	p1 =	slt.u32 s9, $0xF7A;
	s5 =	simm.s32 @!p2 $0x0  }
0x1d: {  	s5 =	simm.s32 @p1 $0x1;
	p0 =	seq.s32 s7, s2  }
0x1e: {  	s7 =	smul.u32 @!p0 $0xF7A, s2;
	p2 =	seq.s32 @!p0 s5, $0x0  }
0x1f: {  	s9 =	smul.u32 $0xF7A, s1;
	s8 =	simm.s32 @!p0 $0x1BF5;
	p2 =	por !p2, p0  }
0x20: {  	[sflag:s8] =	ssyncset.s32 @!p0 $0xFFFFF086;
	s6 =	sadd.s32 @!p0 s3, s7;
	s7 =	simm.s32 @!p0 $0x108  }
0x21: {  	s3 =	sadd.s32 s3, s9;
	s6 =	sadd.s32 @!p0 $0x88, s6;
	s7 =	simm.s32 @p2 $0x1082  }
0x22: {  	[simem:s7], [sflag:s8] =	dma.local @!p0 [hbm:s6], $0xF7A  }
0x23: {  	s9 =	sor.u32 $0xD0000000, s2;
	s6 =	simm.s32 $0x108;
	_ =	swait.ge @!p0 [sflag:s8], $0x0  }
0x24: {  	s3 =	sadd.s32 $0x88, s3;
	s6 =	simm.s32 @!p1 $0x1082;
	[sflag:s4] =	ssyncset.s32 $0xFFFFF086  }
0x25: {  	[simem:s6], [sflag:s4] =	dma.local [hbm:s3], $0xF7A  }
0x26: {  	[smem:$0x3F94] =	sst s1;
	(tag) =	ssettag s2;
	_ =	strace s9  }
0x27: {  	s1 =	sld [smem:$0x3FA4]  }
0x28: {  	s2 =	sld [smem:$0x3FA5]  }
0x29: {  	s4 =	sld [smem:$0x3FA7]  }
0x2a: {  	p0 =	seq.s32 s5, $0x0;
	s5 =	sld [smem:$0x3FA8]  }
0x2b: {  	s6 =	sld [smem:$0x3FA9]  }
0x2c: {  	s7 =	sld [smem:$0x3FAA]  }
0x2d: {  	s3 =	simm.s32 $0x108;
	s8 =	sld [smem:$0x3FAB]  }
0x2e: {  	s3 =	simm.s32 @!p0 $0x1082;
	s9 =	sld [smem:$0x3FAC]  }
0x2f: {  	lr =	sadd.s32 s0, s3;
	s0 =	sld [smem:$0x3FA3]  }
0x30: {  	s3 =	sld [smem:$0x3FA6]  }
0x31: {  	[smem:$0x3FAF] =	sst s10  }
0x32: {  	s10 =	sld [smem:$0x3FAD];
	_ =	sdelay $0x3  }
0x33: {  	p0 =	seq.s32 s10, $0x1;
	s10 =	sld [smem:$0x3FAF];
	_ =	sdelay $0x3  }
0x34: {  	[smem:$0x3FAF] =	sst s10  }
0x35: {  	s10 =	sld [smem:$0x3FAE];
	_ =	sdelay $0x3  }
0x36: {  	p1 =	seq.s32 s10, $0x1;
	s10 =	sld [smem:$0x3FAF];
	_ =	sdelay $0x3  }
0x37: {  	[smem:$0x3FAF] =	sst s10  }
0x38: {  	s10 =	sld [smem:$0x3FB0]  }
0x39: {  	_ = 	snop;
	(pc) =	sbr.ind lr, $3  }
0x3a: {  	_ = 	snop  }
0x3b: {  	_ = 	snop  }
0x3c: {  	p2 =	seq.s32 s10, $0x1;
	s10 =	sld [smem:$0x3FAF]  }
0x3d: {  	_ =	shalt  }
0x3e: {  	_ =	shalt  }
0x3f: {  	_ =	shalt  }
0x40: {  	_ =	shalt  }
0x41: {  	_ =	shalt  }
0x42: {  	_ =	shalt  }
0x43: {  	_ =	shalt  }
0x44: {  	_ =	shalt  }
0x45: {  	_ =	shalt  }
0x46: {  	_ =	shalt  }
0x47: {  	_ =	shalt  }
0x48: {  	_ =	shalt  }
0x49: {  	_ =	shalt  }
0x4a: {  	_ =	shalt  }
0x4b: {  	_ =	shalt  }
0x4c: {  	_ =	shalt  }
0x4d: {  	_ =	shalt  }
0x4e: {  	_ =	shalt  }
0x4f: {  	_ =	shalt  }
0x50: {  	_ =	shalt  }
0x51: {  	_ =	shalt  }
0x52: {  	_ =	shalt  }
0x53: {  	_ =	shalt  }
0x54: {  	_ =	shalt  }
0x55: {  	_ =	shalt  }
0x56: {  	_ =	shalt  }
0x57: {  	_ =	shalt  }
0x58: {  	_ =	shalt  }
0x59: {  	_ =	shalt  }
0x5a: {  	_ =	shalt  }
0x5b: {  	_ =	shalt  }
0x5c: {  	_ =	shalt  }
0x5d: {  	_ =	shalt  }
0x5e: {  	_ =	shalt  }
0x5f: {  	_ =	shalt  }
0x60: {  	_ =	shalt  }
0x61: {  	_ =	shalt  }
0x62: {  	_ =	shalt  }
0x63: {  	_ =	shalt  }
0x64: {  	_ =	shalt  }
0x65: {  	_ =	shalt  }
0x66: {  	_ =	shalt  }
0x67: {  	_ =	shalt  }
0x68: {  	_ =	shalt  }
0x69: {  	_ =	shalt  }
0x6a: {  	_ =	shalt  }
0x6b: {  	_ =	shalt  }
0x6c: {  	_ =	shalt  }
0x6d: {  	_ =	shalt  }
0x6e: {  	_ =	shalt  }
0x6f: {  	_ =	shalt  }
0x70: {  	_ =	shalt  }
0x71: {  	_ =	shalt  }
0x72: {  	_ =	shalt  }
0x73: {  	_ =	shalt  }
0x74: {  	_ =	shalt  }
0x75: {  	_ =	shalt  }
0x76: {  	_ =	shalt  }
0x77: {  	_ =	shalt  }
0x78: {  	_ =	shalt  }
0x79: {  	_ =	shalt  }
0x7a: {  	_ =	shalt  }
0x7b: {  	_ =	shalt  }
0x7c: {  	_ =	shalt  }
0x7d: {  	_ =	shalt  }
0x7e: {  	_ =	shalt  }
0x7f: {  	_ =	shalt  }
0x80: {  	_ =	shalt  }
0x81: {  	_ =	shalt  }
0x82: {  	_ =	shalt  }
0x83: {  	_ =	shalt  }
0x84: {  	_ =	shalt  }
0x85: {  	_ =	shalt  }
0x86: {  	_ =	shalt  }
0x87: {  	_ =	shalt  }
.Lfunc_end0:
.L_simem_size_0:
called_computation_lowered:
.L_overlay_start_0:
0x88: {  	s2 =	sld [smem:$0x3FD9]  }
0x89: {  	s3 =	sld [smem:$0x3FFE];
	_ =	sdelay $0x1  }
0x8a: {  	s1 =	srdreg.scid  }
0x8b: {  	s0 =	sand.u32 $0x1, s1  }
0x8c: {  	s14 =	sshll.u32 s0, $0xA;
	s2 =	sadd.s32 s3, s2  }
0x8d: {  	s2 =	sadd.s32 s2, s14  }
0x8e: {  	[smem:$0x3FBB] =	sst s2  }
0x8f: {  	_ = 	snop  }
0x90: {  	s2 =	sld [smem:$0x3FD0];
	_ =	sdelay $0x2  }
0x91: {  	s4 =	simm.s32 $0xA;
	s5 =	simm.s32 $0x10;
	s15 =	sld [smem:$0x3FC9]  }
0x92: {  	[smem:s5], [sflag:s4] =	dma.local [hbm:s2], $0x1  }
0x93: {  	_ =	swait.eq [sflag:s4], $0x1  }
0x94: {  	[sflag:s4] =	ssyncset.done $0x0  }
0x95: {  	[sflag:s4] =	ssyncadd.s32 $0xFFFFFFFF  }
0x96: {  	s16 =	sld [smem:$0x13];
	(tm) =	ssettm $0x1  }
0x97: {  	s17 =	sld [smem:$0x3FFB];
	_ =	sdelay $0x3  }
0x98: {  	_ =	strace s17  }
0x99: {  	s4 =	sld [smem:$0x3FFC];
	_ =	sdelay $0x3  }
0x9a: {  	_ =	strace s4  }
0x9b: {  	s4 =	sld [smem:$0x3FFD];
	_ =	sdelay $0x3  }
0x9c: {  	_ =	strace s4  }
0x9d: {  	_ =	strace $0x8FFFFFFF  }
0x9e: {  	s18 =	sld [smem:$0x3FDB];
	_ =	sdelay $0x1  }
0x9f: {  	s19 =	simm.s32 $_scs_section_size  }
0xa0: {  	s6 =	simm.s32 $_size__tile_overlayer_lowered;
	s7 =	simm.s32 $_tile_overlayer_lowered  }
0xa1: {  	s22 =	simm.s32 $0x1BFF;
	s21 =	sshll.u32 s7, $0x1;
	s4 =	sadd.s32 s19, s18  }
0xa2: {  	s8 =	simm.s32 $0x0;
	s20 =	sshll.u32 s6, $0x1;
	s6 =	sadd.s32 s21, s4  }
0xa3: {  	[timem:s8], [sflag:s22] =	dma.local [hbm:s6], s20  }
0xa4: {  	_ =	swait.ge [sflag:s22], s20  }
0xa5: {  	s5 =	ssub.s32 $0x0, s20;
	[sflag:s22] =	ssyncset.done $0x0  }
0xa6: {  	[sflag:s22] =	ssyncadd.s32 s5;
	_ =	sdelay $0x1  }
0xa7: {  	s23 =	simm.s32 $0x1B8B  }
0xa8: {  	_ =	swait.ge [sflag:s23], $0x1  }
0xa9: {  	[sflag:s23] =	ssyncset.done $0x0  }
0xaa: {  	s25 =	simm.s32 $0x1B8E;
	s24 =	sld [smem:$0x3FFE];
	[sflag:s23] =	ssyncadd.s32 $0xFFFFFFFF  }
0xab: {  	s26 =	simm.s32 $execute0_lowered;
	[smem:$0x3FD2] =	sst s25  }
0xac: {  	s6 =	sshll.u32 s26, $0x1;
	_ =	strace $0x80000046;
	[dreg:$0x1] =	wrdreg $0xFFFFFFFF  }
0xad: {  	s28 =	simm.s32 $_size_execute0_lowered;
	s4 =	sadd.s32 s4, s6;
	[dreg:$0x0] =	wrdreg $0x0  }
0xae: {  	s6 =	sshll.u32 s28, $0x1;
	[dreg:$0x2] =	wrdreg s4  }
0xaf: {  	[dreg:$0x3] =	wrdreg s6  }
0xb0: {  	[dreg:$0x4] =	wrdreg $0xC0  }
0xb1: {  	_ =	task [dreg:s8], $0x5FFFF  }
0xb2: {  	[dreg:$0x1] =	wrdreg $0xFFFFFFFF  }
0xb3: {  	[dreg:$0x0] =	wrdreg $0x60  }
0xb4: {  	[dreg:$0x2] =	wrdreg s15  }
0xb5: {  	[dreg:$0x3] =	wrdreg s16  }
0xb6: {  	[dreg:$0x4] =	wrdreg s24  }
0xb7: {  	[dreg:$0x5] =	wrdreg $0x9  }
0xb8: {  	_ =	task.clear_ibuf [dreg:s8], $0x6FFFF;
	_ =	strace $0x90000046  }
0xb9: {  	s29 =	simm.s32 $0x9;
	_ =	strace $0x80000048  }
0xba: {  	_ =	swait.ge [sflag:s29], $0x1  }
0xbb: {  	[sflag:s29] =	ssyncadd.s32 $0xFFFFFFFF  }
0xbc: {  	_ =	strace $0x90000048  }
0xbd: {  	_ =	sfence  }
0xbe: {  	s30 =	sld [smem:$0x0];
	_ =	sdelay $0x2  }
0xbf: {  	s31 =	sshll.u32 s1, $0xD;
	s1 =	sshrl.u32 s1, $0x2  }
0xc0: {  	s3 =	sand.u32 $0x4000, s31;
	s1 =	sadd.s32 s1, s30  }
0xc1: {  	s0 =	sor.u32 s3, s0;
	s1 =	sshll.u32 s1, $0x11  }
0xc2: {  	s0 =	sor.u32 s1, s0  }
0xc3: {  	s0 =	sadd.s32 $0x8F2B, s0  }
0xc4: {  	[sflag:s0] =	ssyncadd.remote.s32 $0x1  }
0xc5: {  	_ =	sfence.sel $0xFFFF  }
0xc6: {  	[dreg:$0x0] =	wrdreg $0xFFFFFFFF;
	(pc) =	sbr.abs _section_cstart, $3  }
0xc7: {  	[dreg:$0x1] =	wrdreg $0xFFFFFFFF  }
0xc8: {  	_ =	task.clear_ibuf [dreg:s8], $0x2FFFF;
	_ =	strace $0x9FFFFFFF  }
0xc9: {  	(tm) =	ssettm $0x7FFFFFFF  }
tec
execute0_lowered:
.L_overlay_start_1:
0x0: {  	(tag) =	ssettag $0x1  }
0x1: {  	s1 =	rddreg [dreg:$0x0]  }
0x2: {  	s4 =	rddreg [dreg:$0x1]  }
0x3: {  	s2 =	srdreg.scid;
	s0 =	stileid.u32  }
0x4: {  	s5 =	rddreg [dreg:$0x2];
	s3 =	simm.s32 $0x0;
	s12 =	simm.s32 $0x1  }
0x5: {  	s13 =	simm.s32 $0x2;
	s6 =	sand.u32 $0x1, s2;
	s2 =	rddreg [dreg:$0x3]  }
0x6: {  	s14 =	simm.s32 $0x0;
	s7 =	sshll.u32 s0, $0x1;
	[smem:$0x7FF] =	sst s3  }
0x7: {  	s10 =	sadd.s32 $0x3600, s5;
	s30 =	smul.u32 $0x4E200, s0;
	s7 =	sor.u32 s6, s7  }
0x8: {  	s8 =	ssub.s32 $0x2, s6;
	_ =	strace $0x80000047;
	s11 =	smul.u32 $0x27100, s6  }
0x9: {  	s9 =	smul.u32 $0x138800, s7;
	s28 =	sshrl.u32 s8, $0x1;
	s7 =	sshll.u32 s7, $0xB  }
0xa: {  	s31 =	sadd.s32 s30, s10;
	s8 =	ssub.s32 s8, s28;
	s4 =	sadd.s32 s4, s7  }
0xb: {  	s7 =	sadd.s32 s11, s31;
	s11 =	simm.s32 $0x6800;
	s29 =	sshrl.u32 s9, $0x3  }
0xc: {  	s6 =	smax.u32 s8, $0x1;
	s8 =	simm.s32 $0x3;
	s5 =	sadd.s32 s10, s29  }
0xd: {  	s9 =	simm.s32 $0x50;
	s10 =	simm.s32 $0x4000;
	s5 =	sadd.s32 $0x26C00, s5  }
.LBB2_1:
0xe: {  	[tilespmem:s3], [sflag:$0x3] =	stream.linear.gather [hbm4b:s4+s3], $0x3E80, $0x38;
	[tilespmem:$0x9000] =	vst v63  }
0xf: {  	_ =	swait.ge [sflag:s8], $0x3E80  }
0x10: {  	[sflag:s8] =	ssyncset.done $0x0  }
0x11: {  	[sflag:s8] =	ssyncadd.s32 $0xFFFFC180  }
0x12: {  	[tilespmem:s10], [sflag:$0x1] =	stream.indirect.gather [hbm4b:s1+s9], $0x80, s3, s9, $0xb8;
	[tilespmem:$0x9000] =	vst v63  }
0x13: {  	s15 =	simm.s32 $0x80  }
0x14: {  	[tilespmem:s11], [sflag:$0x2] =	stream.indirect.gather [hbm4b:s1+s9], $0x80, s15, s9, $0xb8;
	[tilespmem:$0x9000] =	vst v63  }
0x15: {  	_ =	swait.ge [sflag:s12], $0x2800  }
0x16: {  	[sflag:s12] =	ssyncset.done $0x0  }
0x17: {  	s31 =	sadd.s32 $0x0, s7;
	[sflag:s12] =	ssyncadd.s32 $0xFFFFD800  }
0x18: {  	[hbm4b:s31+s3] =	stream.linear.scatter [tilespmem:s10], [sflag:$0x3], $0x2800, $0x38;
	[tilespmem:$0x9000] =	vst v63  }
0x19: {  	_ =	swait.ge [sflag:s8], $0x2800  }
0x1a: {  	[sflag:s8] =	ssyncset.done $0x0  }
0x1b: {  	s16 =	simm.s32 $0x100;
	[sflag:s8] =	ssyncadd.s32 $0xFFFFD800  }
0x1c: {  	[tilespmem:s10], [sflag:$0x1] =	stream.indirect.gather [hbm4b:s1+s9], $0x80, s16, s9, $0xb8;
	[tilespmem:$0x9000] =	vst v63  }
0x1d: {  	_ =	swait.ge [sflag:s13], $0x2800  }
0x1e: {  	[sflag:s13] =	ssyncset.done $0x0  }
0x1f: {  	s15 =	sadd.s32 $0x500, s31;
	[sflag:s13] =	ssyncadd.s32 $0xFFFFD800  }
0x20: {  	[hbm4b:s15+s3] =	stream.linear.scatter [tilespmem:s11], [sflag:$0x3], $0x2800, $0x38;
	[tilespmem:$0x9000] =	vst v63  }
0x21: {  	s17 =	simm.s32 $0x1400;
	_ =	swait.ge [sflag:s8], $0x2800  }
0x22: {  	s16 =	simm.s32 $0xA00;
	s15 =	simm.s32 $0x200;
	[sflag:s8] =	ssyncset.done $0x0  }
.LBB2_2:
0x23: {  	p0 =	sne.s32 s17, $0x26200;
	s18 =	sadd.s32 $0xFFFFFF80, s15;
	[sflag:s8] =	ssyncadd.s32 $0xFFFFD800  }
0x24: {  	[tilespmem:s11], [sflag:$0x2] =	stream.indirect.gather [hbm4b:s1+s9], $0x80, s18, s9, $0xb8;
	[tilespmem:$0x9000] =	vst v63  }
0x25: {  	s18 =	smov.u32 s17;
	s17 =	sadd.s32 $0xA00, s17;
	_ =	swait.ge [sflag:s12], $0x2800  }
0x26: {  	[sflag:s12] =	ssyncset.done $0x0  }
0x27: {  	s19 =	sadd.s32 s16, s7;
	s16 =	smov.u32 s18;
	[sflag:s12] =	ssyncadd.s32 $0xFFFFD800  }
0x28: {  	[hbm4b:s19+s3] =	stream.linear.scatter [tilespmem:s10], [sflag:$0x3], $0x2800, $0x38;
	[tilespmem:$0x9000] =	vst v63  }
0x29: {  	_ =	swait.ge [sflag:s8], $0x2800  }
0x2a: {  	[sflag:s8] =	ssyncset.done $0x0  }
0x2b: {  	[sflag:s8] =	ssyncadd.s32 $0xFFFFD800  }
0x2c: {  	[tilespmem:s10], [sflag:$0x1] =	stream.indirect.gather [hbm4b:s1+s9], $0x80, s15, s9, $0xb8;
	[tilespmem:$0x9000] =	vst v63  }
0x2d: {  	_ =	swait.ge [sflag:s13], $0x2800  }
.Ltmp0:
0x2e: {  	[sflag:s13] =	ssyncset.done $0x0;
	(pc) =	sbr.rel @p0 .LBB2_2-.Ltmp0, $4  }
0x2f: {  	s18 =	sadd.s32 $0x500, s19;
	[sflag:s13] =	ssyncadd.s32 $0xFFFFD800  }
0x30: {  	[hbm4b:s18+s3] =	stream.linear.scatter [tilespmem:s11], [sflag:$0x3], $0x2800, $0x38;
	[tilespmem:$0x9000] =	vst v63  }
0x31: {  	_ =	swait.ge [sflag:s8], $0x2800  }
0x32: {  	s15 =	sadd.s32 $0x100, s15;
	[sflag:s8] =	ssyncset.done $0x0  }
0x33: {  	s17 =	sadd.s32 $0xFFFFFF80, s15;
	[sflag:s8] =	ssyncadd.s32 $0xFFFFD800  }
0x34: {  	[tilespmem:s11], [sflag:$0x2] =	stream.indirect.gather [hbm4b:s1+s9], $0x80, s17, s9, $0xb8;
	[tilespmem:$0x9000] =	vst v63  }
0x35: {  	_ =	swait.ge [sflag:s12], $0x2800  }
0x36: {  	[sflag:s12] =	ssyncset.done $0x0  }
0x37: {  	s16 =	sadd.s32 s16, s7;
	[sflag:s12] =	ssyncadd.s32 $0xFFFFD800  }
0x38: {  	[hbm4b:s16+s3] =	stream.linear.scatter [tilespmem:s10], [sflag:$0x3], $0x2800, $0x38;
	[tilespmem:$0x9000] =	vst v63  }
0x39: {  	_ =	swait.ge [sflag:s8], $0x2800  }
0x3a: {  	[sflag:s8] =	ssyncset.done $0x0  }
0x3b: {  	[sflag:s8] =	ssyncadd.s32 $0xFFFFD800  }
0x3c: {  	[tilespmem:s10], [sflag:$0x1] =	stream.indirect.gather [hbm4b:s1+s9], $0x80, s15, s9, $0xb8;
	[tilespmem:$0x9000] =	vst v63  }
0x3d: {  	_ =	swait.ge [sflag:s13], $0x2800  }
0x3e: {  	[sflag:s13] =	ssyncset.done $0x0  }
0x3f: {  	s31 =	sadd.s32 $0x500, s16;
	[sflag:s13] =	ssyncadd.s32 $0xFFFFD800  }
0x40: {  	[hbm4b:s31+s3] =	stream.linear.scatter [tilespmem:s11], [sflag:$0x3], $0x2800, $0x38;
	[tilespmem:$0x9000] =	vst v63  }
0x41: {  	_ =	swait.ge [sflag:s8], $0x2800  }
0x42: {  	[sflag:s8] =	ssyncset.done $0x0  }
0x43: {  	[sflag:s8] =	ssyncadd.s32 $0xFFFFD800  }
0x44: {  	s14 =	sadd.s32 $0x1, s14;
	_ =	swait.ge [sflag:s12], $0x2800  }
0x45: {  	p0 =	sne.s32 s14, s6;
	[sflag:s12] =	ssyncset.done $0x0  }
.Ltmp1:
0x46: {  	[sflag:s12] =	ssyncadd.s32 $0xFFFFD800;
	(pc) =	sbr.rel @p0 .LBB2_1-.Ltmp1, $4  }
0x47: {  	[hbm4b:s5+s3] =	stream.linear.scatter [tilespmem:s10], [sflag:$0x3], $0x2800, $0x38;
	[tilespmem:$0x9000] =	vst v63  }
0x48: {  	_ =	swait.ge [sflag:s8], $0x2800  }
0x49: {  	[sflag:s8] =	ssyncset.done $0x0  }
0x4a: {  	[sflag:s8] =	ssyncadd.s32 $0xFFFFD800  }
0x4b: {  	_ =	sfence.sel $0x180000  }
0x4c: {  	[bflag:$0x0] =	sbarrier.arrive $0xFFFF  }
0x4d: {  	p0 =	sne.s32 s0, $0x0;
	_ =	strace $0x90000047  }
0x4e: {  	s0 =	sadd.s32 @!p0 $0x100000, s2;
	[bflag:$0x2] =	sbarrier.arrive $0xFFFF  }
0x4f: {  	[sflag:s0] =	ssyncadd.tile.s32 @!p0 $0x1;
	_ =	shalt  }
.Lfunc_end2:
_tile_overlayer_lowered:
.L_overlay_start_2:
0x50: {  	(tag) =	ssettag $0x2  }
0x51: {  	s0 =	rddreg [dreg:$0x0];
	s2 =	stileid.u32  }
0x52: {  	s1 =	rddreg [dreg:$0x1];
	p0 =	sne.s32 s2, $0x0  }
0x53: {  	s3 =	rddreg [dreg:$0x2];
	[bflag:$0x3] =	sbarrier.arrive $0xFFFF;
	s2 =	simm.s32 @!p0 $0x1C03  }
0x54: {  	[timem:s3], [sflag:s2] =	dma.local @!p0 [hbm:s0], s1  }
0x55: {  	s0 =	simm.s32 @!p0 $0x3  }
0x56: {  	_ =	swait.ge @!p0 [sflag:s0], s1  }
0x57: {  	s1 =	ssub.s32 @!p0 $0x0, s1;
	[sflag:s0] =	ssyncset.done @!p0 $0x0  }
0x58: {  	[sflag:s0] =	ssyncadd.s32 @!p0 s1  }
0x59: {  	[bflag:$0x3] =	sbarrier.arrive $0xFFFF  }
0x5a: {  	_ =	shalt  }

</sc_bundles>
